<compile_context>
chip_gen: v7x
topology: tpu7x:2x2x1
jax: 0.10.2.dev20260603
libtpu: 0.0.44.dev20260713+nightly
codegen_flags: <defaults>
</compile_context>

<pallas_src>
import functools

import jax
import jax.numpy as jnp
from jax import lax
from jax.experimental import pallas as pl
from jax.experimental.pallas import tpu as pltpu
from jax.experimental.pallas import tpu_sc as plsc

N_NODES = 10000
N_EDGES = 320000
D_FEAT = 128

NUM_CORES = 2
NUM_SUBCORES = 16
NUM_WORKERS = NUM_CORES * NUM_SUBCORES
E_PER_W = N_EDGES // NUM_WORKERS
BLK = 80
NBLK = E_PER_W // BLK
GRP = BLK // 16
FU = 8


def _sc_call(h_src, h_dst, src_i, dst_i, seed):
    mesh = plsc.VectorSubcoreMesh(core_axis_name="c", subcore_axis_name="s")

    @functools.partial(
        pl.kernel,
        out_type=jax.ShapeDtypeStruct((N_EDGES,), jnp.float32),
        mesh=mesh,
        compiler_params=pltpu.CompilerParams(needs_layout_passes=False),
        scratch_types=[
            pltpu.VMEM((E_PER_W,), jnp.int32),
            pltpu.VMEM((E_PER_W,), jnp.int32),
            pltpu.VMEM((E_PER_W,), jnp.float32),
            pltpu.VMEM((E_PER_W,), jnp.float32),
            pltpu.VMEM((BLK, D_FEAT), jnp.float32),
            pltpu.VMEM((BLK, D_FEAT), jnp.float32),
            pltpu.SemaphoreType.DMA,
        ],
    )
    def k(hs, hd, si, di, sc, out, si_v, di_v, sc_v, out_v, ru, rv, sem):
        wid = lax.axis_index("s") * NUM_CORES + lax.axis_index("c")
        base = wid * E_PER_W
        pltpu.sync_copy(si.at[pl.ds(base, E_PER_W)], si_v)
        pltpu.sync_copy(di.at[pl.ds(base, E_PER_W)], di_v)
        pltpu.sync_copy(sc.at[pl.ds(base, E_PER_W)], sc_v)

        lane = lax.iota(jnp.int32, 16)
        zeros = jnp.zeros((16,), jnp.float32)

        @pl.loop(0, NBLK)
        def _blk_loop(blk):
            off = blk * BLK
            cu = pltpu.async_copy(hs.at[si_v.at[pl.ds(off, BLK)]], ru, sem)
            cv = pltpu.async_copy(hd.at[di_v.at[pl.ds(off, BLK)]], rv, sem)
            cu.wait()
            cv.wait()

            row_vecs = [lane + 16 * g for g in range(GRP)]

            def body(fc, accs):
                f0 = fc * FU
                accs = list(accs)
                for j in range(FU):
                    col = jnp.full((16,), 0, jnp.int32) + (f0 + j)
                    for g in range(GRP):
                        u = plsc.load_gather(ru, [row_vecs[g], col])
                        v = plsc.load_gather(rv, [row_vecs[g], col])
                        accs[g] = accs[g] + u * v
                return tuple(accs)

            accs = lax.fori_loop(0, D_FEAT // FU, body,
                                 tuple(zeros for _ in range(GRP)))
            for g in range(GRP):
                pos = off + g * 16
                out_v[pl.ds(pos, 16)] = accs[g] + sc_v[pl.ds(pos, 16)]

        pltpu.sync_copy(out_v, out.at[pl.ds(base, E_PER_W)])

    return k(h_src, h_dst, src_i, dst_i, seed)


@jax.jit
def kernel(h_src, h_dst, edge_index, seed_score):
    src_i = edge_index[0].astype(jnp.int32)
    dst_i = edge_index[1].astype(jnp.int32)
    return _sc_call(h_src, h_dst, src_i, dst_i, seed_score)

# --- scband reference (transcript-rebuilt; emitter-appended) ---
"""Pipeline reference for scband-dot-predictor-62534723830328 (READ-ONLY COPY).

The authoritative reference and input builder live on the scoring server;
editing this copy changes nothing except your own understanding.
"""

import jax, jax.numpy as jnp
import numpy as np

N_NODES = 10000
N_EDGES = 320000
D_FEAT = 128


def setup_inputs(seed: int = 0) -> dict:
    key = jax.random.key(seed)
    k1, k2, k3, k4 = jax.random.split(key, 4)
    h_src = jax.random.normal(k1, (N_NODES, D_FEAT), dtype=jnp.float32)
    h_dst = jax.random.normal(k2, (N_NODES, D_FEAT), dtype=jnp.float32)
    edge_index = jax.random.randint(k3, (2, N_EDGES), 0, N_NODES, dtype=jnp.int64)
    seed_score = jax.random.normal(k4, (N_EDGES,), dtype=jnp.float32)
    return {"h_src": h_src, "h_dst": h_dst, "edge_index": edge_index, "seed_score": seed_score}


def reference(h_src, h_dst, edge_index, seed_score):
    # DGL u_dot_v: for each edge (u, v) of the given etype, gather src/dst
    # node embeddings and take their dot product.
    src = edge_index[0]
    dst = edge_index[1]
    hu = jnp.take(h_src, src, axis=0)  # [E, d]
    hv = jnp.take(h_dst, dst, axis=0)  # [E, d]
    dot_score = jnp.sum(hu * hv, axis=-1)  # [E]
    # use_seed_score=True and 'seed_score' present in edge data
    score = dot_score + seed_score
    return score

if __name__ == "__main__":
    import jax
    _d = setup_inputs()
    print(jax.jit(kernel)(*tuple(_d.values())))

</pallas_src>

<mosaic_0001>
#map = affine_map<(d0, d1) -> (0, 0)>
#map1 = affine_map<(d0, d1) -> (0)>
module attributes {stable_mosaic.version = 14 : i64} {
  func.func @k(%arg0: i32, %arg1: i32, %arg2: memref<10000x128xf32, #tpu.memory_space<hbm>>, %arg3: memref<10000x128xf32, #tpu.memory_space<hbm>>, %arg4: memref<320000xi32, #tpu.memory_space<hbm>>, %arg5: memref<320000xi32, #tpu.memory_space<hbm>>, %arg6: memref<320000xf32, #tpu.memory_space<hbm>>, %arg7: memref<320000xf32, #tpu.memory_space<hbm>>, %arg8: memref<10000xi32, #tpu.memory_space<vmem>>, %arg9: memref<10000xi32, #tpu.memory_space<vmem>>, %arg10: memref<10000xf32, #tpu.memory_space<vmem>>, %arg11: memref<10000xf32, #tpu.memory_space<vmem>>, %arg12: memref<80x128xf32, #tpu.memory_space<vmem>>, %arg13: memref<80x128xf32, #tpu.memory_space<vmem>>, %arg14: memref<!tpu.dma_semaphore, #tpu.memory_space<semaphore_mem>>) attributes {dimension_semantics = [#tpu.dimension_semantics<core_parallel>, #tpu.dimension_semantics<subcore_parallel>], iteration_bounds = array<i64: 2, 16>, scalar_prefetch = 0 : i64, scratch_operands = 7 : i64, tpu.core_type = #tpu.core_type<sc_vector_subcore>, window_params = [{transform_indices = #map}, {transform_indices = #map}, {transform_indices = #map1}, {transform_indices = #map1}, {transform_indices = #map1}, {transform_indices = #map1}]} {
    %mul3A = arith.constant 2 : i32
    %mul3A_0 = arith.muli %arg1, %mul3A : i32
    %add3A = arith.addi %mul3A_0, %arg0 : i32
    %mul3A_1 = arith.constant 10000 : i32
    %mul3A_2 = arith.muli %add3A, %mul3A_1 : i32
    "tpu.region"() ({
      %run_scoped3A = tpu.sem_alloc : memref<!tpu.dma_semaphore, #tpu.memory_space<semaphore_mem>>
      %dma_start3A = tpu.memref_slice %arg4[%mul3A_2] : memref<320000xi32, #tpu.memory_space<hbm>> -> memref<10000xi32, #tpu.memory_space<hbm>>
      %dma_start3A_8 = tpu.memref_slice %arg4[%mul3A_2] : memref<320000xi32, #tpu.memory_space<hbm>> -> memref<10000xi32, #tpu.memory_space<hbm>>
      tpu.enqueue_dma source(%dma_start3A_8 : memref<10000xi32, #tpu.memory_space<hbm>>) target(%arg8 : memref<10000xi32, #tpu.memory_space<vmem>>) target_semaphore(%run_scoped3A : memref<!tpu.dma_semaphore, #tpu.memory_space<semaphore_mem>>)
      %dma_wait3A = tpu.memref_slice %arg4[%mul3A_2] : memref<320000xi32, #tpu.memory_space<hbm>> -> memref<10000xi32, #tpu.memory_space<hbm>>
      %dma_wait3A_9 = tpu.memref_slice %arg4[%mul3A_2] : memref<320000xi32, #tpu.memory_space<hbm>> -> memref<10000xi32, #tpu.memory_space<hbm>>
      tpu.wait_dma2 semaphore(%run_scoped3A : memref<!tpu.dma_semaphore, #tpu.memory_space<semaphore_mem>>) src(%dma_wait3A_9 : memref<10000xi32, #tpu.memory_space<hbm>>) dst(%arg8 : memref<10000xi32, #tpu.memory_space<vmem>>)
      tpu.yield
    }) : () -> ()
    "tpu.region"() ({
      %run_scoped3A = tpu.sem_alloc : memref<!tpu.dma_semaphore, #tpu.memory_space<semaphore_mem>>
      %dma_start3A = tpu.memref_slice %arg5[%mul3A_2] : memref<320000xi32, #tpu.memory_space<hbm>> -> memref<10000xi32, #tpu.memory_space<hbm>>
      %dma_start3A_8 = tpu.memref_slice %arg5[%mul3A_2] : memref<320000xi32, #tpu.memory_space<hbm>> -> memref<10000xi32, #tpu.memory_space<hbm>>
      tpu.enqueue_dma source(%dma_start3A_8 : memref<10000xi32, #tpu.memory_space<hbm>>) target(%arg9 : memref<10000xi32, #tpu.memory_space<vmem>>) target_semaphore(%run_scoped3A : memref<!tpu.dma_semaphore, #tpu.memory_space<semaphore_mem>>)
      %dma_wait3A = tpu.memref_slice %arg5[%mul3A_2] : memref<320000xi32, #tpu.memory_space<hbm>> -> memref<10000xi32, #tpu.memory_space<hbm>>
      %dma_wait3A_9 = tpu.memref_slice %arg5[%mul3A_2] : memref<320000xi32, #tpu.memory_space<hbm>> -> memref<10000xi32, #tpu.memory_space<hbm>>
      tpu.wait_dma2 semaphore(%run_scoped3A : memref<!tpu.dma_semaphore, #tpu.memory_space<semaphore_mem>>) src(%dma_wait3A_9 : memref<10000xi32, #tpu.memory_space<hbm>>) dst(%arg9 : memref<10000xi32, #tpu.memory_space<vmem>>)
      tpu.yield
    }) : () -> ()
    "tpu.region"() ({
      %run_scoped3A = tpu.sem_alloc : memref<!tpu.dma_semaphore, #tpu.memory_space<semaphore_mem>>
      %dma_start3A = tpu.memref_slice %arg6[%mul3A_2] : memref<320000xf32, #tpu.memory_space<hbm>> -> memref<10000xf32, #tpu.memory_space<hbm>>
      %dma_start3A_8 = tpu.memref_slice %arg6[%mul3A_2] : memref<320000xf32, #tpu.memory_space<hbm>> -> memref<10000xf32, #tpu.memory_space<hbm>>
      tpu.enqueue_dma source(%dma_start3A_8 : memref<10000xf32, #tpu.memory_space<hbm>>) target(%arg10 : memref<10000xf32, #tpu.memory_space<vmem>>) target_semaphore(%run_scoped3A : memref<!tpu.dma_semaphore, #tpu.memory_space<semaphore_mem>>)
      %dma_wait3A = tpu.memref_slice %arg6[%mul3A_2] : memref<320000xf32, #tpu.memory_space<hbm>> -> memref<10000xf32, #tpu.memory_space<hbm>>
      %dma_wait3A_9 = tpu.memref_slice %arg6[%mul3A_2] : memref<320000xf32, #tpu.memory_space<hbm>> -> memref<10000xf32, #tpu.memory_space<hbm>>
      tpu.wait_dma2 semaphore(%run_scoped3A : memref<!tpu.dma_semaphore, #tpu.memory_space<semaphore_mem>>) src(%dma_wait3A_9 : memref<10000xf32, #tpu.memory_space<hbm>>) dst(%arg10 : memref<10000xf32, #tpu.memory_space<vmem>>)
      tpu.yield
    }) : () -> ()
    %iota3A = tpu.iota {dimensions = array<i32: 0>} : vector<16xi32>
    %broadcast_in_dim3A = arith.constant 0.000000e+00 : f32
    %broadcast_in_dim3A_3 = vector.broadcast %broadcast_in_dim3A : f32 to vector<16xf32>
    %scan3A = arith.constant 0 : i32
    %scan3A_4 = arith.constant 125 : i32
    %scan3A_5 = arith.addi %scan3A, %scan3A_4 : i32
    %scan3A_6 = arith.constant 1 : i32
    scf.for %scan3A_8 = %scan3A to %scan3A_5 step %scan3A_6  : i32 {
      %mul3A_9 = arith.constant 1 : i32
      %mul3A_10 = arith.muli %scan3A_8, %mul3A_9 : i32
      %add3A_11 = arith.constant 0 : i32
      %add3A_12 = arith.addi %add3A_11, %mul3A_10 : i32
      %mul3A_13 = arith.constant 80 : i32
      %mul3A_14 = arith.muli %add3A_12, %mul3A_13 : i32
      %dma_start3A = tpu.memref_slice %arg8[%mul3A_14] : memref<10000xi32, #tpu.memory_space<vmem>> -> memref<80xi32, #tpu.memory_space<vmem>>
      %dma_start3A_15 = arith.constant 0 : i32
      %dma_start3A_16 = arith.constant 0 : i32
      %dma_start3A_17 = tpu.memref_slice %arg2[%dma_start3A_15, %dma_start3A_16] : memref<10000x128xf32, #tpu.memory_space<hbm>> -> memref<10000x128xf32, #tpu.memory_space<hbm>>
      tpu.enqueue_indirect_dma source(%dma_start3A_17 : memref<10000x128xf32, #tpu.memory_space<hbm>>) target(%arg12 : memref<80x128xf32, #tpu.memory_space<vmem>>) offsets(%dma_start3A : memref<80xi32, #tpu.memory_space<vmem>>) semaphore(%arg14 : memref<!tpu.dma_semaphore, #tpu.memory_space<semaphore_mem>>)
      %dma_start3A_18 = tpu.memref_slice %arg9[%mul3A_14] : memref<10000xi32, #tpu.memory_space<vmem>> -> memref<80xi32, #tpu.memory_space<vmem>>
      %dma_start3A_19 = arith.constant 0 : i32
      %dma_start3A_20 = arith.constant 0 : i32
      %dma_start3A_21 = tpu.memref_slice %arg3[%dma_start3A_19, %dma_start3A_20] : memref<10000x128xf32, #tpu.memory_space<hbm>> -> memref<10000x128xf32, #tpu.memory_space<hbm>>
      tpu.enqueue_indirect_dma source(%dma_start3A_21 : memref<10000x128xf32, #tpu.memory_space<hbm>>) target(%arg13 : memref<80x128xf32, #tpu.memory_space<vmem>>) offsets(%dma_start3A_18 : memref<80xi32, #tpu.memory_space<vmem>>) semaphore(%arg14 : memref<!tpu.dma_semaphore, #tpu.memory_space<semaphore_mem>>)
      %dma_wait3A = tpu.memref_slice %arg8[%mul3A_14] : memref<10000xi32, #tpu.memory_space<vmem>> -> memref<80xi32, #tpu.memory_space<vmem>>
      %dma_wait3A_22 = arith.constant 0 : i32
      %dma_wait3A_23 = arith.constant 0 : i32
      %dma_wait3A_24 = tpu.memref_slice %arg2[%dma_wait3A_22, %dma_wait3A_23] : memref<10000x128xf32, #tpu.memory_space<hbm>> -> memref<10000x128xf32, #tpu.memory_space<hbm>>
      tpu.wait_indirect_dma semaphore(%arg14 : memref<!tpu.dma_semaphore, #tpu.memory_space<semaphore_mem>>) src(%dma_wait3A_24 : memref<10000x128xf32, #tpu.memory_space<hbm>>) dst(%arg12 : memref<80x128xf32, #tpu.memory_space<vmem>>)
      %dma_wait3A_25 = tpu.memref_slice %arg9[%mul3A_14] : memref<10000xi32, #tpu.memory_space<vmem>> -> memref<80xi32, #tpu.memory_space<vmem>>
      %dma_wait3A_26 = arith.constant 0 : i32
      %dma_wait3A_27 = arith.constant 0 : i32
      %dma_wait3A_28 = tpu.memref_slice %arg3[%dma_wait3A_26, %dma_wait3A_27] : memref<10000x128xf32, #tpu.memory_space<hbm>> -> memref<10000x128xf32, #tpu.memory_space<hbm>>
      tpu.wait_indirect_dma semaphore(%arg14 : memref<!tpu.dma_semaphore, #tpu.memory_space<semaphore_mem>>) src(%dma_wait3A_28 : memref<10000x128xf32, #tpu.memory_space<hbm>>) dst(%arg13 : memref<80x128xf32, #tpu.memory_space<vmem>>)
      %add3A_29 = arith.constant 0 : i32
      %add3A_30 = vector.broadcast %add3A_29 : i32 to vector<16xi32>
      %add3A_31 = arith.addi %iota3A, %add3A_30 : vector<16xi32>
      %add3A_32 = arith.constant 16 : i32
      %add3A_33 = vector.broadcast %add3A_32 : i32 to vector<16xi32>
      %add3A_34 = arith.addi %iota3A, %add3A_33 : vector<16xi32>
      %add3A_35 = arith.constant 32 : i32
      %add3A_36 = vector.broadcast %add3A_35 : i32 to vector<16xi32>
      %add3A_37 = arith.addi %iota3A, %add3A_36 : vector<16xi32>
      %add3A_38 = arith.constant 48 : i32
      %add3A_39 = vector.broadcast %add3A_38 : i32 to vector<16xi32>
      %add3A_40 = arith.addi %iota3A, %add3A_39 : vector<16xi32>
      %add3A_41 = arith.constant 64 : i32
      %add3A_42 = vector.broadcast %add3A_41 : i32 to vector<16xi32>
      %add3A_43 = arith.addi %iota3A, %add3A_42 : vector<16xi32>
      %scan3A_44 = arith.constant 0 : i32
      %scan3A_45 = arith.constant 16 : i32
      %scan3A_46 = arith.addi %scan3A_44, %scan3A_45 : i32
      %scan3A_47 = arith.constant 1 : i32
      %scan3A_48:5 = scf.for %scan3A_83 = %scan3A_44 to %scan3A_46 step %scan3A_47 iter_args(%scan3A_84 = %broadcast_in_dim3A_3, %scan3A_85 = %broadcast_in_dim3A_3, %scan3A_86 = %broadcast_in_dim3A_3, %scan3A_87 = %broadcast_in_dim3A_3, %scan3A_88 = %broadcast_in_dim3A_3) -> (vector<16xf32>, vector<16xf32>, vector<16xf32>, vector<16xf32>, vector<16xf32>)  : i32 {
        %mul3A_89 = arith.constant 8 : i32
        %mul3A_90 = arith.muli %scan3A_83, %mul3A_89 : i32
        %broadcast_in_dim3A_91 = arith.constant 0 : i32
        %broadcast_in_dim3A_92 = vector.broadcast %broadcast_in_dim3A_91 : i32 to vector<16xi32>
        %add3A_93 = arith.constant 0 : i32
        %add3A_94 = arith.addi %mul3A_90, %add3A_93 : i32
        %add3A_95 = vector.broadcast %add3A_94 : i32 to vector<16xi32>
        %add3A_96 = arith.addi %broadcast_in_dim3A_92, %add3A_95 : vector<16xi32>
        %gather3A = tpu.vector_load_idx %arg12[%add3A_31, %add3A_96] : memref<80x128xf32, #tpu.memory_space<vmem>>[vector<16xi32>, vector<16xi32>], vector<16xf32>,
        %gather3A_97 = tpu.vector_load_idx %arg13[%add3A_31, %add3A_96] : memref<80x128xf32, #tpu.memory_space<vmem>>[vector<16xi32>, vector<16xi32>], vector<16xf32>,
        %mul3A_98 = arith.mulf %gather3A, %gather3A_97 : vector<16xf32>
        %add3A_99 = arith.addf %scan3A_84, %mul3A_98 : vector<16xf32>
        %gather3A_100 = tpu.vector_load_idx %arg12[%add3A_34, %add3A_96] : memref<80x128xf32, #tpu.memory_space<vmem>>[vector<16xi32>, vector<16xi32>], vector<16xf32>,
        %gather3A_101 = tpu.vector_load_idx %arg13[%add3A_34, %add3A_96] : memref<80x128xf32, #tpu.memory_space<vmem>>[vector<16xi32>, vector<16xi32>], vector<16xf32>,
        %mul3A_102 = arith.mulf %gather3A_100, %gather3A_101 : vector<16xf32>
        %add3A_103 = arith.addf %scan3A_85, %mul3A_102 : vector<16xf32>
        %gather3A_104 = tpu.vector_load_idx %arg12[%add3A_37, %add3A_96] : memref<80x128xf32, #tpu.memory_space<vmem>>[vector<16xi32>, vector<16xi32>], vector<16xf32>,
        %gather3A_105 = tpu.vector_load_idx %arg13[%add3A_37, %add3A_96] : memref<80x128xf32, #tpu.memory_space<vmem>>[vector<16xi32>, vector<16xi32>], vector<16xf32>,
        %mul3A_106 = arith.mulf %gather3A_104, %gather3A_105 : vector<16xf32>
        %add3A_107 = arith.addf %scan3A_86, %mul3A_106 : vector<16xf32>
        %gather3A_108 = tpu.vector_load_idx %arg12[%add3A_40, %add3A_96] : memref<80x128xf32, #tpu.memory_space<vmem>>[vector<16xi32>, vector<16xi32>], vector<16xf32>,
        %gather3A_109 = tpu.vector_load_idx %arg13[%add3A_40, %add3A_96] : memref<80x128xf32, #tpu.memory_space<vmem>>[vector<16xi32>, vector<16xi32>], vector<16xf32>,
        %mul3A_110 = arith.mulf %gather3A_108, %gather3A_109 : vector<16xf32>
        %add3A_111 = arith.addf %scan3A_87, %mul3A_110 : vector<16xf32>
        %gather3A_112 = tpu.vector_load_idx %arg12[%add3A_43, %add3A_96] : memref<80x128xf32, #tpu.memory_space<vmem>>[vector<16xi32>, vector<16xi32>], vector<16xf32>,
        %gather3A_113 = tpu.vector_load_idx %arg13[%add3A_43, %add3A_96] : memref<80x128xf32, #tpu.memory_space<vmem>>[vector<16xi32>, vector<16xi32>], vector<16xf32>,
        %mul3A_114 = arith.mulf %gather3A_112, %gather3A_113 : vector<16xf32>
        %add3A_115 = arith.addf %scan3A_88, %mul3A_114 : vector<16xf32>
        %broadcast_in_dim3A_116 = arith.constant 0 : i32
        %broadcast_in_dim3A_117 = vector.broadcast %broadcast_in_dim3A_116 : i32 to vector<16xi32>
        %add3A_118 = arith.constant 1 : i32
        %add3A_119 = arith.addi %mul3A_90, %add3A_118 : i32
        %add3A_120 = vector.broadcast %add3A_119 : i32 to vector<16xi32>
        %add3A_121 = arith.addi %broadcast_in_dim3A_117, %add3A_120 : vector<16xi32>
        %gather3A_122 = tpu.vector_load_idx %arg12[%add3A_31, %add3A_121] : memref<80x128xf32, #tpu.memory_space<vmem>>[vector<16xi32>, vector<16xi32>], vector<16xf32>,
        %gather3A_123 = tpu.vector_load_idx %arg13[%add3A_31, %add3A_121] : memref<80x128xf32, #tpu.memory_space<vmem>>[vector<16xi32>, vector<16xi32>], vector<16xf32>,
        %mul3A_124 = arith.mulf %gather3A_122, %gather3A_123 : vector<16xf32>
        %add3A_125 = arith.addf %add3A_99, %mul3A_124 : vector<16xf32>
        %gather3A_126 = tpu.vector_load_idx %arg12[%add3A_34, %add3A_121] : memref<80x128xf32, #tpu.memory_space<vmem>>[vector<16xi32>, vector<16xi32>], vector<16xf32>,
        %gather3A_127 = tpu.vector_load_idx %arg13[%add3A_34, %add3A_121] : memref<80x128xf32, #tpu.memory_space<vmem>>[vector<16xi32>, vector<16xi32>], vector<16xf32>,
        %mul3A_128 = arith.mulf %gather3A_126, %gather3A_127 : vector<16xf32>
        %add3A_129 = arith.addf %add3A_103, %mul3A_128 : vector<16xf32>
        %gather3A_130 = tpu.vector_load_idx %arg12[%add3A_37, %add3A_121] : memref<80x128xf32, #tpu.memory_space<vmem>>[vector<16xi32>, vector<16xi32>], vector<16xf32>,
        %gather3A_131 = tpu.vector_load_idx %arg13[%add3A_37, %add3A_121] : memref<80x128xf32, #tpu.memory_space<vmem>>[vector<16xi32>, vector<16xi32>], vector<16xf32>,
        %mul3A_132 = arith.mulf %gather3A_130, %gather3A_131 : vector<16xf32>
        %add3A_133 = arith.addf %add3A_107, %mul3A_132 : vector<16xf32>
        %gather3A_134 = tpu.vector_load_idx %arg12[%add3A_40, %add3A_121] : memref<80x128xf32, #tpu.memory_space<vmem>>[vector<16xi32>, vector<16xi32>], vector<16xf32>,
        %gather3A_135 = tpu.vector_load_idx %arg13[%add3A_40, %add3A_121] : memref<80x128xf32, #tpu.memory_space<vmem>>[vector<16xi32>, vector<16xi32>], vector<16xf32>,
        %mul3A_136 = arith.mulf %gather3A_134, %gather3A_135 : vector<16xf32>
        %add3A_137 = arith.addf %add3A_111, %mul3A_136 : vector<16xf32>
        %gather3A_138 = tpu.vector_load_idx %arg12[%add3A_43, %add3A_121] : memref<80x128xf32, #tpu.memory_space<vmem>>[vector<16xi32>, vector<16xi32>], vector<16xf32>,
        %gather3A_139 = tpu.vector_load_idx %arg13[%add3A_43, %add3A_121] : memref<80x128xf32, #tpu.memory_space<vmem>>[vector<16xi32>, vector<16xi32>], vector<16xf32>,
        %mul3A_140 = arith.mulf %gather3A_138, %gather3A_139 : vector<16xf32>
        %add3A_141 = arith.addf %add3A_115, %mul3A_140 : vector<16xf32>
        %broadcast_in_dim3A_142 = arith.constant 0 : i32
        %broadcast_in_dim3A_143 = vector.broadcast %broadcast_in_dim3A_142 : i32 to vector<16xi32>
        %add3A_144 = arith.constant 2 : i32
        %add3A_145 = arith.addi %mul3A_90, %add3A_144 : i32
        %add3A_146 = vector.broadcast %add3A_145 : i32 to vector<16xi32>
        %add3A_147 = arith.addi %broadcast_in_dim3A_143, %add3A_146 : vector<16xi32>
        %gather3A_148 = tpu.vector_load_idx %arg12[%add3A_31, %add3A_147] : memref<80x128xf32, #tpu.memory_space<vmem>>[vector<16xi32>, vector<16xi32>], vector<16xf32>,
        %gather3A_149 = tpu.vector_load_idx %arg13[%add3A_31, %add3A_147] : memref<80x128xf32, #tpu.memory_space<vmem>>[vector<16xi32>, vector<16xi32>], vector<16xf32>,
        %mul3A_150 = arith.mulf %gather3A_148, %gather3A_149 : vector<16xf32>
        %add3A_151 = arith.addf %add3A_125, %mul3A_150 : vector<16xf32>
        %gather3A_152 = tpu.vector_load_idx %arg12[%add3A_34, %add3A_147] : memref<80x128xf32, #tpu.memory_space<vmem>>[vector<16xi32>, vector<16xi32>], vector<16xf32>,
        %gather3A_153 = tpu.vector_load_idx %arg13[%add3A_34, %add3A_147] : memref<80x128xf32, #tpu.memory_space<vmem>>[vector<16xi32>, vector<16xi32>], vector<16xf32>,
        %mul3A_154 = arith.mulf %gather3A_152, %gather3A_153 : vector<16xf32>
        %add3A_155 = arith.addf %add3A_129, %mul3A_154 : vector<16xf32>
        %gather3A_156 = tpu.vector_load_idx %arg12[%add3A_37, %add3A_147] : memref<80x128xf32, #tpu.memory_space<vmem>>[vector<16xi32>, vector<16xi32>], vector<16xf32>,
        %gather3A_157 = tpu.vector_load_idx %arg13[%add3A_37, %add3A_147] : memref<80x128xf32, #tpu.memory_space<vmem>>[vector<16xi32>, vector<16xi32>], vector<16xf32>,
        %mul3A_158 = arith.mulf %gather3A_156, %gather3A_157 : vector<16xf32>
        %add3A_159 = arith.addf %add3A_133, %mul3A_158 : vector<16xf32>
        %gather3A_160 = tpu.vector_load_idx %arg12[%add3A_40, %add3A_147] : memref<80x128xf32, #tpu.memory_space<vmem>>[vector<16xi32>, vector<16xi32>], vector<16xf32>,
        %gather3A_161 = tpu.vector_load_idx %arg13[%add3A_40, %add3A_147] : memref<80x128xf32, #tpu.memory_space<vmem>>[vector<16xi32>, vector<16xi32>], vector<16xf32>,
        %mul3A_162 = arith.mulf %gather3A_160, %gather3A_161 : vector<16xf32>
        %add3A_163 = arith.addf %add3A_137, %mul3A_162 : vector<16xf32>
        %gather3A_164 = tpu.vector_load_idx %arg12[%add3A_43, %add3A_147] : memref<80x128xf32, #tpu.memory_space<vmem>>[vector<16xi32>, vector<16xi32>], vector<16xf32>,
        %gather3A_165 = tpu.vector_load_idx %arg13[%add3A_43, %add3A_147] : memref<80x128xf32, #tpu.memory_space<vmem>>[vector<16xi32>, vector<16xi32>], vector<16xf32>,
        %mul3A_166 = arith.mulf %gather3A_164, %gather3A_165 : vector<16xf32>
        %add3A_167 = arith.addf %add3A_141, %mul3A_166 : vector<16xf32>
        %broadcast_in_dim3A_168 = arith.constant 0 : i32
        %broadcast_in_dim3A_169 = vector.broadcast %broadcast_in_dim3A_168 : i32 to vector<16xi32>
        %add3A_170 = arith.constant 3 : i32
        %add3A_171 = arith.addi %mul3A_90, %add3A_170 : i32
        %add3A_172 = vector.broadcast %add3A_171 : i32 to vector<16xi32>
        %add3A_173 = arith.addi %broadcast_in_dim3A_169, %add3A_172 : vector<16xi32>
        %gather3A_174 = tpu.vector_load_idx %arg12[%add3A_31, %add3A_173] : memref<80x128xf32, #tpu.memory_space<vmem>>[vector<16xi32>, vector<16xi32>], vector<16xf32>,
        %gather3A_175 = tpu.vector_load_idx %arg13[%add3A_31, %add3A_173] : memref<80x128xf32, #tpu.memory_space<vmem>>[vector<16xi32>, vector<16xi32>], vector<16xf32>,
        %mul3A_176 = arith.mulf %gather3A_174, %gather3A_175 : vector<16xf32>
        %add3A_177 = arith.addf %add3A_151, %mul3A_176 : vector<16xf32>
        %gather3A_178 = tpu.vector_load_idx %arg12[%add3A_34, %add3A_173] : memref<80x128xf32, #tpu.memory_space<vmem>>[vector<16xi32>, vector<16xi32>], vector<16xf32>,
        %gather3A_179 = tpu.vector_load_idx %arg13[%add3A_34, %add3A_173] : memref<80x128xf32, #tpu.memory_space<vmem>>[vector<16xi32>, vector<16xi32>], vector<16xf32>,
        %mul3A_180 = arith.mulf %gather3A_178, %gather3A_179 : vector<16xf32>
        %add3A_181 = arith.addf %add3A_155, %mul3A_180 : vector<16xf32>
        %gather3A_182 = tpu.vector_load_idx %arg12[%add3A_37, %add3A_173] : memref<80x128xf32, #tpu.memory_space<vmem>>[vector<16xi32>, vector<16xi32>], vector<16xf32>,
        %gather3A_183 = tpu.vector_load_idx %arg13[%add3A_37, %add3A_173] : memref<80x128xf32, #tpu.memory_space<vmem>>[vector<16xi32>, vector<16xi32>], vector<16xf32>,
        %mul3A_184 = arith.mulf %gather3A_182, %gather3A_183 : vector<16xf32>
        %add3A_185 = arith.addf %add3A_159, %mul3A_184 : vector<16xf32>
        %gather3A_186 = tpu.vector_load_idx %arg12[%add3A_40, %add3A_173] : memref<80x128xf32, #tpu.memory_space<vmem>>[vector<16xi32>, vector<16xi32>], vector<16xf32>,
        %gather3A_187 = tpu.vector_load_idx %arg13[%add3A_40, %add3A_173] : memref<80x128xf32, #tpu.memory_space<vmem>>[vector<16xi32>, vector<16xi32>], vector<16xf32>,
        %mul3A_188 = arith.mulf %gather3A_186, %gather3A_187 : vector<16xf32>
        %add3A_189 = arith.addf %add3A_163, %mul3A_188 : vector<16xf32>
        %gather3A_190 = tpu.vector_load_idx %arg12[%add3A_43, %add3A_173] : memref<80x128xf32, #tpu.memory_space<vmem>>[vector<16xi32>, vector<16xi32>], vector<16xf32>,
        %gather3A_191 = tpu.vector_load_idx %arg13[%add3A_43, %add3A_173] : memref<80x128xf32, #tpu.memory_space<vmem>>[vector<16xi32>, vector<16xi32>], vector<16xf32>,
        %mul3A_192 = arith.mulf %gather3A_190, %gather3A_191 : vector<16xf32>
        %add3A_193 = arith.addf %add3A_167, %mul3A_192 : vector<16xf32>
        %broadcast_in_dim3A_194 = arith.constant 0 : i32
        %broadcast_in_dim3A_195 = vector.broadcast %broadcast_in_dim3A_194 : i32 to vector<16xi32>
        %add3A_196 = arith.constant 4 : i32
        %add3A_197 = arith.addi %mul3A_90, %add3A_196 : i32
        %add3A_198 = vector.broadcast %add3A_197 : i32 to vector<16xi32>
        %add3A_199 = arith.addi %broadcast_in_dim3A_195, %add3A_198 : vector<16xi32>
        %gather3A_200 = tpu.vector_load_idx %arg12[%add3A_31, %add3A_199] : memref<80x128xf32, #tpu.memory_space<vmem>>[vector<16xi32>, vector<16xi32>], vector<16xf32>,
        %gather3A_201 = tpu.vector_load_idx %arg13[%add3A_31, %add3A_199] : memref<80x128xf32, #tpu.memory_space<vmem>>[vector<16xi32>, vector<16xi32>], vector<16xf32>,
        %mul3A_202 = arith.mulf %gather3A_200, %gather3A_201 : vector<16xf32>
        %add3A_203 = arith.addf %add3A_177, %mul3A_202 : vector<16xf32>
        %gather3A_204 = tpu.vector_load_idx %arg12[%add3A_34, %add3A_199] : memref<80x128xf32, #tpu.memory_space<vmem>>[vector<16xi32>, vector<16xi32>], vector<16xf32>,
        %gather3A_205 = tpu.vector_load_idx %arg13[%add3A_34, %add3A_199] : memref<80x128xf32, #tpu.memory_space<vmem>>[vector<16xi32>, vector<16xi32>], vector<16xf32>,
        %mul3A_206 = arith.mulf %gather3A_204, %gather3A_205 : vector<16xf32>
        %add3A_207 = arith.addf %add3A_181, %mul3A_206 : vector<16xf32>
        %gather3A_208 = tpu.vector_load_idx %arg12[%add3A_37, %add3A_199] : memref<80x128xf32, #tpu.memory_space<vmem>>[vector<16xi32>, vector<16xi32>], vector<16xf32>,
        %gather3A_209 = tpu.vector_load_idx %arg13[%add3A_37, %add3A_199] : memref<80x128xf32, #tpu.memory_space<vmem>>[vector<16xi32>, vector<16xi32>], vector<16xf32>,
        %mul3A_210 = arith.mulf %gather3A_208, %gather3A_209 : vector<16xf32>
        %add3A_211 = arith.addf %add3A_185, %mul3A_210 : vector<16xf32>
        %gather3A_212 = tpu.vector_load_idx %arg12[%add3A_40, %add3A_199] : memref<80x128xf32, #tpu.memory_space<vmem>>[vector<16xi32>, vector<16xi32>], vector<16xf32>,
        %gather3A_213 = tpu.vector_load_idx %arg13[%add3A_40, %add3A_199] : memref<80x128xf32, #tpu.memory_space<vmem>>[vector<16xi32>, vector<16xi32>], vector<16xf32>,
        %mul3A_214 = arith.mulf %gather3A_212, %gather3A_213 : vector<16xf32>
        %add3A_215 = arith.addf %add3A_189, %mul3A_214 : vector<16xf32>
        %gather3A_216 = tpu.vector_load_idx %arg12[%add3A_43, %add3A_199] : memref<80x128xf32, #tpu.memory_space<vmem>>[vector<16xi32>, vector<16xi32>], vector<16xf32>,
        %gather3A_217 = tpu.vector_load_idx %arg13[%add3A_43, %add3A_199] : memref<80x128xf32, #tpu.memory_space<vmem>>[vector<16xi32>, vector<16xi32>], vector<16xf32>,
        %mul3A_218 = arith.mulf %gather3A_216, %gather3A_217 : vector<16xf32>
        %add3A_219 = arith.addf %add3A_193, %mul3A_218 : vector<16xf32>
        %broadcast_in_dim3A_220 = arith.constant 0 : i32
        %broadcast_in_dim3A_221 = vector.broadcast %broadcast_in_dim3A_220 : i32 to vector<16xi32>
        %add3A_222 = arith.constant 5 : i32
        %add3A_223 = arith.addi %mul3A_90, %add3A_222 : i32
        %add3A_224 = vector.broadcast %add3A_223 : i32 to vector<16xi32>
        %add3A_225 = arith.addi %broadcast_in_dim3A_221, %add3A_224 : vector<16xi32>
        %gather3A_226 = tpu.vector_load_idx %arg12[%add3A_31, %add3A_225] : memref<80x128xf32, #tpu.memory_space<vmem>>[vector<16xi32>, vector<16xi32>], vector<16xf32>,
        %gather3A_227 = tpu.vector_load_idx %arg13[%add3A_31, %add3A_225] : memref<80x128xf32, #tpu.memory_space<vmem>>[vector<16xi32>, vector<16xi32>], vector<16xf32>,
        %mul3A_228 = arith.mulf %gather3A_226, %gather3A_227 : vector<16xf32>
        %add3A_229 = arith.addf %add3A_203, %mul3A_228 : vector<16xf32>
        %gather3A_230 = tpu.vector_load_idx %arg12[%add3A_34, %add3A_225] : memref<80x128xf32, #tpu.memory_space<vmem>>[vector<16xi32>, vector<16xi32>], vector<16xf32>,
        %gather3A_231 = tpu.vector_load_idx %arg13[%add3A_34, %add3A_225] : memref<80x128xf32, #tpu.memory_space<vmem>>[vector<16xi32>, vector<16xi32>], vector<16xf32>,
        %mul3A_232 = arith.mulf %gather3A_230, %gather3A_231 : vector<16xf32>
        %add3A_233 = arith.addf %add3A_207, %mul3A_232 : vector<16xf32>
        %gather3A_234 = tpu.vector_load_idx %arg12[%add3A_37, %add3A_225] : memref<80x128xf32, #tpu.memory_space<vmem>>[vector<16xi32>, vector<16xi32>], vector<16xf32>,
        %gather3A_235 = tpu.vector_load_idx %arg13[%add3A_37, %add3A_225] : memref<80x128xf32, #tpu.memory_space<vmem>>[vector<16xi32>, vector<16xi32>], vector<16xf32>,
        %mul3A_236 = arith.mulf %gather3A_234, %gather3A_235 : vector<16xf32>
        %add3A_237 = arith.addf %add3A_211, %mul3A_236 : vector<16xf32>
        %gather3A_238 = tpu.vector_load_idx %arg12[%add3A_40, %add3A_225] : memref<80x128xf32, #tpu.memory_space<vmem>>[vector<16xi32>, vector<16xi32>], vector<16xf32>,
        %gather3A_239 = tpu.vector_load_idx %arg13[%add3A_40, %add3A_225] : memref<80x128xf32, #tpu.memory_space<vmem>>[vector<16xi32>, vector<16xi32>], vector<16xf32>,
        %mul3A_240 = arith.mulf %gather3A_238, %gather3A_239 : vector<16xf32>
        %add3A_241 = arith.addf %add3A_215, %mul3A_240 : vector<16xf32>
        %gather3A_242 = tpu.vector_load_idx %arg12[%add3A_43, %add3A_225] : memref<80x128xf32, #tpu.memory_space<vmem>>[vector<16xi32>, vector<16xi32>], vector<16xf32>,
        %gather3A_243 = tpu.vector_load_idx %arg13[%add3A_43, %add3A_225] : memref<80x128xf32, #tpu.memory_space<vmem>>[vector<16xi32>, vector<16xi32>], vector<16xf32>,
        %mul3A_244 = arith.mulf %gather3A_242, %gather3A_243 : vector<16xf32>
        %add3A_245 = arith.addf %add3A_219, %mul3A_244 : vector<16xf32>
        %broadcast_in_dim3A_246 = arith.constant 0 : i32
        %broadcast_in_dim3A_247 = vector.broadcast %broadcast_in_dim3A_246 : i32 to vector<16xi32>
        %add3A_248 = arith.constant 6 : i32
        %add3A_249 = arith.addi %mul3A_90, %add3A_248 : i32
        %add3A_250 = vector.broadcast %add3A_249 : i32 to vector<16xi32>
        %add3A_251 = arith.addi %broadcast_in_dim3A_247, %add3A_250 : vector<16xi32>
        %gather3A_252 = tpu.vector_load_idx %arg12[%add3A_31, %add3A_251] : memref<80x128xf32, #tpu.memory_space<vmem>>[vector<16xi32>, vector<16xi32>], vector<16xf32>,
        %gather3A_253 = tpu.vector_load_idx %arg13[%add3A_31, %add3A_251] : memref<80x128xf32, #tpu.memory_space<vmem>>[vector<16xi32>, vector<16xi32>], vector<16xf32>,
        %mul3A_254 = arith.mulf %gather3A_252, %gather3A_253 : vector<16xf32>
        %add3A_255 = arith.addf %add3A_229, %mul3A_254 : vector<16xf32>
        %gather3A_256 = tpu.vector_load_idx %arg12[%add3A_34, %add3A_251] : memref<80x128xf32, #tpu.memory_space<vmem>>[vector<16xi32>, vector<16xi32>], vector<16xf32>,
        %gather3A_257 = tpu.vector_load_idx %arg13[%add3A_34, %add3A_251] : memref<80x128xf32, #tpu.memory_space<vmem>>[vector<16xi32>, vector<16xi32>], vector<16xf32>,
        %mul3A_258 = arith.mulf %gather3A_256, %gather3A_257 : vector<16xf32>
        %add3A_259 = arith.addf %add3A_233, %mul3A_258 : vector<16xf32>
        %gather3A_260 = tpu.vector_load_idx %arg12[%add3A_37, %add3A_251] : memref<80x128xf32, #tpu.memory_space<vmem>>[vector<16xi32>, vector<16xi32>], vector<16xf32>,
        %gather3A_261 = tpu.vector_load_idx %arg13[%add3A_37, %add3A_251] : memref<80x128xf32, #tpu.memory_space<vmem>>[vector<16xi32>, vector<16xi32>], vector<16xf32>,
        %mul3A_262 = arith.mulf %gather3A_260, %gather3A_261 : vector<16xf32>
        %add3A_263 = arith.addf %add3A_237, %mul3A_262 : vector<16xf32>
        %gather3A_264 = tpu.vector_load_idx %arg12[%add3A_40, %add3A_251] : memref<80x128xf32, #tpu.memory_space<vmem>>[vector<16xi32>, vector<16xi32>], vector<16xf32>,
        %gather3A_265 = tpu.vector_load_idx %arg13[%add3A_40, %add3A_251] : memref<80x128xf32, #tpu.memory_space<vmem>>[vector<16xi32>, vector<16xi32>], vector<16xf32>,
        %mul3A_266 = arith.mulf %gather3A_264, %gather3A_265 : vector<16xf32>
        %add3A_267 = arith.addf %add3A_241, %mul3A_266 : vector<16xf32>
        %gather3A_268 = tpu.vector_load_idx %arg12[%add3A_43, %add3A_251] : memref<80x128xf32, #tpu.memory_space<vmem>>[vector<16xi32>, vector<16xi32>], vector<16xf32>,
        %gather3A_269 = tpu.vector_load_idx %arg13[%add3A_43, %add3A_251] : memref<80x128xf32, #tpu.memory_space<vmem>>[vector<16xi32>, vector<16xi32>], vector<16xf32>,
        %mul3A_270 = arith.mulf %gather3A_268, %gather3A_269 : vector<16xf32>
        %add3A_271 = arith.addf %add3A_245, %mul3A_270 : vector<16xf32>
        %broadcast_in_dim3A_272 = arith.constant 0 : i32
        %broadcast_in_dim3A_273 = vector.broadcast %broadcast_in_dim3A_272 : i32 to vector<16xi32>
        %add3A_274 = arith.constant 7 : i32
        %add3A_275 = arith.addi %mul3A_90, %add3A_274 : i32
        %add3A_276 = vector.broadcast %add3A_275 : i32 to vector<16xi32>
        %add3A_277 = arith.addi %broadcast_in_dim3A_273, %add3A_276 : vector<16xi32>
        %gather3A_278 = tpu.vector_load_idx %arg12[%add3A_31, %add3A_277] : memref<80x128xf32, #tpu.memory_space<vmem>>[vector<16xi32>, vector<16xi32>], vector<16xf32>,
        %gather3A_279 = tpu.vector_load_idx %arg13[%add3A_31, %add3A_277] : memref<80x128xf32, #tpu.memory_space<vmem>>[vector<16xi32>, vector<16xi32>], vector<16xf32>,
        %mul3A_280 = arith.mulf %gather3A_278, %gather3A_279 : vector<16xf32>
        %add3A_281 = arith.addf %add3A_255, %mul3A_280 : vector<16xf32>
        %gather3A_282 = tpu.vector_load_idx %arg12[%add3A_34, %add3A_277] : memref<80x128xf32, #tpu.memory_space<vmem>>[vector<16xi32>, vector<16xi32>], vector<16xf32>,
        %gather3A_283 = tpu.vector_load_idx %arg13[%add3A_34, %add3A_277] : memref<80x128xf32, #tpu.memory_space<vmem>>[vector<16xi32>, vector<16xi32>], vector<16xf32>,
        %mul3A_284 = arith.mulf %gather3A_282, %gather3A_283 : vector<16xf32>
        %add3A_285 = arith.addf %add3A_259, %mul3A_284 : vector<16xf32>
        %gather3A_286 = tpu.vector_load_idx %arg12[%add3A_37, %add3A_277] : memref<80x128xf32, #tpu.memory_space<vmem>>[vector<16xi32>, vector<16xi32>], vector<16xf32>,
        %gather3A_287 = tpu.vector_load_idx %arg13[%add3A_37, %add3A_277] : memref<80x128xf32, #tpu.memory_space<vmem>>[vector<16xi32>, vector<16xi32>], vector<16xf32>,
        %mul3A_288 = arith.mulf %gather3A_286, %gather3A_287 : vector<16xf32>
        %add3A_289 = arith.addf %add3A_263, %mul3A_288 : vector<16xf32>
        %gather3A_290 = tpu.vector_load_idx %arg12[%add3A_40, %add3A_277] : memref<80x128xf32, #tpu.memory_space<vmem>>[vector<16xi32>, vector<16xi32>], vector<16xf32>,
        %gather3A_291 = tpu.vector_load_idx %arg13[%add3A_40, %add3A_277] : memref<80x128xf32, #tpu.memory_space<vmem>>[vector<16xi32>, vector<16xi32>], vector<16xf32>,
        %mul3A_292 = arith.mulf %gather3A_290, %gather3A_291 : vector<16xf32>
        %add3A_293 = arith.addf %add3A_267, %mul3A_292 : vector<16xf32>
        %gather3A_294 = tpu.vector_load_idx %arg12[%add3A_43, %add3A_277] : memref<80x128xf32, #tpu.memory_space<vmem>>[vector<16xi32>, vector<16xi32>], vector<16xf32>,
        %gather3A_295 = tpu.vector_load_idx %arg13[%add3A_43, %add3A_277] : memref<80x128xf32, #tpu.memory_space<vmem>>[vector<16xi32>, vector<16xi32>], vector<16xf32>,
        %mul3A_296 = arith.mulf %gather3A_294, %gather3A_295 : vector<16xf32>
        %add3A_297 = arith.addf %add3A_271, %mul3A_296 : vector<16xf32>
        scf.yield %add3A_281, %add3A_285, %add3A_289, %add3A_293, %add3A_297 : vector<16xf32>, vector<16xf32>, vector<16xf32>, vector<16xf32>, vector<16xf32>
      }
      %scan3A_49 = arith.constant 16 : i32
      %add3A_50 = arith.constant 0 : i32
      %add3A_51 = arith.addi %mul3A_14, %add3A_50 : i32
      %get3A = arith.index_cast %add3A_51 : i32 to index
      %get3A_52 = tpu.vector_load %arg10[%get3A] {strides = array<i32>} : memref<10000xf32, #tpu.memory_space<vmem>>, vector<16xf32>,
      %add3A_53 = arith.addf %scan3A_48#0, %get3A_52 : vector<16xf32>
      %swap3A = arith.index_cast %add3A_51 : i32 to index
      %swap3A_54 = tpu.vector_load %arg11[%swap3A] {strides = array<i32>} : memref<10000xf32, #tpu.memory_space<vmem>>, vector<16xf32>,
      tpu.vector_store %arg11[%swap3A], %add3A_53 {strides = array<i32>} : memref<10000xf32, #tpu.memory_space<vmem>>, vector<16xf32>,
      %add3A_55 = arith.constant 16 : i32
      %add3A_56 = arith.addi %mul3A_14, %add3A_55 : i32
      %get3A_57 = arith.index_cast %add3A_56 : i32 to index
      %get3A_58 = tpu.vector_load %arg10[%get3A_57] {strides = array<i32>} : memref<10000xf32, #tpu.memory_space<vmem>>, vector<16xf32>,
      %add3A_59 = arith.addf %scan3A_48#1, %get3A_58 : vector<16xf32>
      %swap3A_60 = arith.index_cast %add3A_56 : i32 to index
      %swap3A_61 = tpu.vector_load %arg11[%swap3A_60] {strides = array<i32>} : memref<10000xf32, #tpu.memory_space<vmem>>, vector<16xf32>,
      tpu.vector_store %arg11[%swap3A_60], %add3A_59 {strides = array<i32>} : memref<10000xf32, #tpu.memory_space<vmem>>, vector<16xf32>,
      %add3A_62 = arith.constant 32 : i32
      %add3A_63 = arith.addi %mul3A_14, %add3A_62 : i32
      %get3A_64 = arith.index_cast %add3A_63 : i32 to index
      %get3A_65 = tpu.vector_load %arg10[%get3A_64] {strides = array<i32>} : memref<10000xf32, #tpu.memory_space<vmem>>, vector<16xf32>,
      %add3A_66 = arith.addf %scan3A_48#2, %get3A_65 : vector<16xf32>
      %swap3A_67 = arith.index_cast %add3A_63 : i32 to index
      %swap3A_68 = tpu.vector_load %arg11[%swap3A_67] {strides = array<i32>} : memref<10000xf32, #tpu.memory_space<vmem>>, vector<16xf32>,
      tpu.vector_store %arg11[%swap3A_67], %add3A_66 {strides = array<i32>} : memref<10000xf32, #tpu.memory_space<vmem>>, vector<16xf32>,
      %add3A_69 = arith.constant 48 : i32
      %add3A_70 = arith.addi %mul3A_14, %add3A_69 : i32
      %get3A_71 = arith.index_cast %add3A_70 : i32 to index
      %get3A_72 = tpu.vector_load %arg10[%get3A_71] {strides = array<i32>} : memref<10000xf32, #tpu.memory_space<vmem>>, vector<16xf32>,
      %add3A_73 = arith.addf %scan3A_48#3, %get3A_72 : vector<16xf32>
      %swap3A_74 = arith.index_cast %add3A_70 : i32 to index
      %swap3A_75 = tpu.vector_load %arg11[%swap3A_74] {strides = array<i32>} : memref<10000xf32, #tpu.memory_space<vmem>>, vector<16xf32>,
      tpu.vector_store %arg11[%swap3A_74], %add3A_73 {strides = array<i32>} : memref<10000xf32, #tpu.memory_space<vmem>>, vector<16xf32>,
      %add3A_76 = arith.constant 64 : i32
      %add3A_77 = arith.addi %mul3A_14, %add3A_76 : i32
      %get3A_78 = arith.index_cast %add3A_77 : i32 to index
      %get3A_79 = tpu.vector_load %arg10[%get3A_78] {strides = array<i32>} : memref<10000xf32, #tpu.memory_space<vmem>>, vector<16xf32>,
      %add3A_80 = arith.addf %scan3A_48#4, %get3A_79 : vector<16xf32>
      %swap3A_81 = arith.index_cast %add3A_77 : i32 to index
      %swap3A_82 = tpu.vector_load %arg11[%swap3A_81] {strides = array<i32>} : memref<10000xf32, #tpu.memory_space<vmem>>, vector<16xf32>,
      tpu.vector_store %arg11[%swap3A_81], %add3A_80 {strides = array<i32>} : memref<10000xf32, #tpu.memory_space<vmem>>, vector<16xf32>,
    }
    %scan3A_7 = arith.constant 125 : i32
    "tpu.region"() ({
      %run_scoped3A = tpu.sem_alloc : memref<!tpu.dma_semaphore, #tpu.memory_space<semaphore_mem>>
      %dma_start3A = tpu.memref_slice %arg7[%mul3A_2] : memref<320000xf32, #tpu.memory_space<hbm>> -> memref<10000xf32, #tpu.memory_space<hbm>>
      %dma_start3A_8 = tpu.memref_slice %arg7[%mul3A_2] : memref<320000xf32, #tpu.memory_space<hbm>> -> memref<10000xf32, #tpu.memory_space<hbm>>
      tpu.enqueue_dma source(%arg11 : memref<10000xf32, #tpu.memory_space<vmem>>) target(%dma_start3A_8 : memref<10000xf32, #tpu.memory_space<hbm>>) target_semaphore(%run_scoped3A : memref<!tpu.dma_semaphore, #tpu.memory_space<semaphore_mem>>)
      %dma_wait3A = tpu.memref_slice %arg7[%mul3A_2] : memref<320000xf32, #tpu.memory_space<hbm>> -> memref<10000xf32, #tpu.memory_space<hbm>>
      %dma_wait3A_9 = tpu.memref_slice %arg7[%mul3A_2] : memref<320000xf32, #tpu.memory_space<hbm>> -> memref<10000xf32, #tpu.memory_space<hbm>>
      tpu.wait_dma2 semaphore(%run_scoped3A : memref<!tpu.dma_semaphore, #tpu.memory_space<semaphore_mem>>) src(%arg11 : memref<10000xf32, #tpu.memory_space<vmem>>) dst(%dma_wait3A_9 : memref<10000xf32, #tpu.memory_space<hbm>>)
      tpu.yield
    }) : () -> ()
    return
  }
}

</mosaic_0001>

<sc_bundles>
// kernel: kernel.3.cloned.1.call-start
scs
__scs_entry_jumppad:
0x0: {  	(pc) =	sbr.rel $0x88, $3  }
0x1: {  	(tag) =	ssettag $0x0;
	lr =	simm.s32 $0x1  }
0x2: {  	[smem:$0x3F9D] =	sst lr;
	_ =	strace $0xD0000000  }
0x3: {  	_ = 	snop  }
0x4: {  	_ = 	snop  }
0x5: {  	_ = 	snop  }
0x6: {  	_ = 	snop  }
0x7: {  	_ = 	snop  }
__scs_overlays_trampoline_lowered:
0x8: {  	[smem:$0x3FAC] =	sst s0  }
0x9: {  	[smem:$0x3FAD] =	sst s1  }
0xa: {  	[smem:$0x3FAE] =	sst s2  }
0xb: {  	[smem:$0x3FAF] =	sst s3  }
0xc: {  	[smem:$0x3FB0] =	sst s4  }
0xd: {  	[smem:$0x3FB1] =	sst s5  }
0xe: {  	[smem:$0x3FB2] =	sst s6  }
0xf: {  	[smem:$0x3FB3] =	sst s7  }
0x10: {  	[smem:$0x3FB4] =	sst s8  }
0x11: {  	[smem:$0x3FB5] =	sst s9;
	s0 =	simm.s32 @!p0 $0x0  }
0x12: {  	s1 =	sld [smem:$0x3F9B];
	s0 =	simm.s32 @p0 $0x1  }
0x13: {  	[smem:$0x3FB6] =	sst s0;
	s0 =	simm.s32 @!p1 $0x0  }
0x14: {  	s2 =	sld [smem:$0x3F9A];
	s0 =	simm.s32 @p1 $0x1  }
0x15: {  	[smem:$0x3FB7] =	sst s0;
	s0 =	simm.s32 @!p2 $0x0  }
0x16: {  	s3 =	sld [smem:$0x3FDB];
	s0 =	simm.s32 @p2 $0x1  }
0x17: {  	s4 =	simm.s32 $0x1BF5;
	[smem:$0x3FB9] =	sst s0  }
0x18: {  	s0 =	sld [smem:$0x3F9C];
	_ =	swait.ge [sflag:s4], $0x0  }
0x19: {  	s7 =	sld [smem:$0x3F9D]  }
0x1a: {  	s8 =	sadd.s32 $0xFFFFE003, lr  }
0x1b: {  	s9 =	sadd.s32 $0xFFFFFEF7, lr;
	s5 =	simm.s32 $0xFFFFFFFF;
	p2 =	slt.u32 s8, $0xFFFFF086  }
0x1c: {  	p1 =	slt.u32 s9, $0xF7A;
	s5 =	simm.s32 @!p2 $0x0  }
0x1d: {  	s5 =	simm.s32 @p1 $0x1;
	p0 =	seq.s32 s7, s2  }
0x1e: {  	s7 =	smul.u32 @!p0 $0xF7A, s2;
	p2 =	seq.s32 @!p0 s5, $0x0  }
0x1f: {  	s9 =	smul.u32 $0xF7A, s1;
	s8 =	simm.s32 @!p0 $0x1BF5;
	p2 =	por !p2, p0  }
0x20: {  	[sflag:s8] =	ssyncset.s32 @!p0 $0xFFFFF086;
	s6 =	sadd.s32 @!p0 s3, s7;
	s7 =	simm.s32 @!p0 $0x108  }
0x21: {  	s3 =	sadd.s32 s3, s9;
	s6 =	sadd.s32 @!p0 $0x88, s6;
	s7 =	simm.s32 @p2 $0x1082  }
0x22: {  	[simem:s7], [sflag:s8] =	dma.local @!p0 [hbm:s6], $0xF7A  }
0x23: {  	s9 =	sor.u32 $0xD0000000, s2;
	s6 =	simm.s32 $0x108;
	_ =	swait.ge @!p0 [sflag:s8], $0x0  }
0x24: {  	s3 =	sadd.s32 $0x88, s3;
	s6 =	simm.s32 @!p1 $0x1082;
	[sflag:s4] =	ssyncset.s32 $0xFFFFF086  }
0x25: {  	[simem:s6], [sflag:s4] =	dma.local [hbm:s3], $0xF7A  }
0x26: {  	[smem:$0x3F9D] =	sst s1;
	(tag) =	ssettag s2;
	_ =	strace s9  }
0x27: {  	s1 =	sld [smem:$0x3FAD]  }
0x28: {  	s2 =	sld [smem:$0x3FAE]  }
0x29: {  	s4 =	sld [smem:$0x3FB0]  }
0x2a: {  	p0 =	seq.s32 s5, $0x0;
	s5 =	sld [smem:$0x3FB1]  }
0x2b: {  	s6 =	sld [smem:$0x3FB2]  }
0x2c: {  	s7 =	sld [smem:$0x3FB3]  }
0x2d: {  	s3 =	simm.s32 $0x108;
	s8 =	sld [smem:$0x3FB4]  }
0x2e: {  	s3 =	simm.s32 @!p0 $0x1082;
	s9 =	sld [smem:$0x3FB5]  }
0x2f: {  	lr =	sadd.s32 s0, s3;
	s0 =	sld [smem:$0x3FAC]  }
0x30: {  	s3 =	sld [smem:$0x3FAF]  }
0x31: {  	[smem:$0x3FB8] =	sst s10  }
0x32: {  	s10 =	sld [smem:$0x3FB6];
	_ =	sdelay $0x3  }
0x33: {  	p0 =	seq.s32 s10, $0x1;
	s10 =	sld [smem:$0x3FB8];
	_ =	sdelay $0x3  }
0x34: {  	[smem:$0x3FB8] =	sst s10  }
0x35: {  	s10 =	sld [smem:$0x3FB7];
	_ =	sdelay $0x3  }
0x36: {  	p1 =	seq.s32 s10, $0x1;
	s10 =	sld [smem:$0x3FB8];
	_ =	sdelay $0x3  }
0x37: {  	[smem:$0x3FB8] =	sst s10  }
0x38: {  	s10 =	sld [smem:$0x3FB9]  }
0x39: {  	_ = 	snop;
	(pc) =	sbr.ind lr, $3  }
0x3a: {  	_ = 	snop  }
0x3b: {  	_ = 	snop  }
0x3c: {  	p2 =	seq.s32 s10, $0x1;
	s10 =	sld [smem:$0x3FB8]  }
0x3d: {  	_ =	shalt  }
0x3e: {  	_ =	shalt  }
0x3f: {  	_ =	shalt  }
0x40: {  	_ =	shalt  }
0x41: {  	_ =	shalt  }
0x42: {  	_ =	shalt  }
0x43: {  	_ =	shalt  }
0x44: {  	_ =	shalt  }
0x45: {  	_ =	shalt  }
0x46: {  	_ =	shalt  }
0x47: {  	_ =	shalt  }
0x48: {  	_ =	shalt  }
0x49: {  	_ =	shalt  }
0x4a: {  	_ =	shalt  }
0x4b: {  	_ =	shalt  }
0x4c: {  	_ =	shalt  }
0x4d: {  	_ =	shalt  }
0x4e: {  	_ =	shalt  }
0x4f: {  	_ =	shalt  }
0x50: {  	_ =	shalt  }
0x51: {  	_ =	shalt  }
0x52: {  	_ =	shalt  }
0x53: {  	_ =	shalt  }
0x54: {  	_ =	shalt  }
0x55: {  	_ =	shalt  }
0x56: {  	_ =	shalt  }
0x57: {  	_ =	shalt  }
0x58: {  	_ =	shalt  }
0x59: {  	_ =	shalt  }
0x5a: {  	_ =	shalt  }
0x5b: {  	_ =	shalt  }
0x5c: {  	_ =	shalt  }
0x5d: {  	_ =	shalt  }
0x5e: {  	_ =	shalt  }
0x5f: {  	_ =	shalt  }
0x60: {  	_ =	shalt  }
0x61: {  	_ =	shalt  }
0x62: {  	_ =	shalt  }
0x63: {  	_ =	shalt  }
0x64: {  	_ =	shalt  }
0x65: {  	_ =	shalt  }
0x66: {  	_ =	shalt  }
0x67: {  	_ =	shalt  }
0x68: {  	_ =	shalt  }
0x69: {  	_ =	shalt  }
0x6a: {  	_ =	shalt  }
0x6b: {  	_ =	shalt  }
0x6c: {  	_ =	shalt  }
0x6d: {  	_ =	shalt  }
0x6e: {  	_ =	shalt  }
0x6f: {  	_ =	shalt  }
0x70: {  	_ =	shalt  }
0x71: {  	_ =	shalt  }
0x72: {  	_ =	shalt  }
0x73: {  	_ =	shalt  }
0x74: {  	_ =	shalt  }
0x75: {  	_ =	shalt  }
0x76: {  	_ =	shalt  }
0x77: {  	_ =	shalt  }
0x78: {  	_ =	shalt  }
0x79: {  	_ =	shalt  }
0x7a: {  	_ =	shalt  }
0x7b: {  	_ =	shalt  }
0x7c: {  	_ =	shalt  }
0x7d: {  	_ =	shalt  }
0x7e: {  	_ =	shalt  }
0x7f: {  	_ =	shalt  }
0x80: {  	_ =	shalt  }
0x81: {  	_ =	shalt  }
0x82: {  	_ =	shalt  }
0x83: {  	_ =	shalt  }
0x84: {  	_ =	shalt  }
0x85: {  	_ =	shalt  }
0x86: {  	_ =	shalt  }
0x87: {  	_ =	shalt  }
.Lfunc_end0:
.L_simem_size_0:
called_computation_lowered:
.L_overlay_start_0:
0x88: {  	s2 =	sld [smem:$0x3FD9]  }
0x89: {  	s3 =	sld [smem:$0x3FFE];
	_ =	sdelay $0x1  }
0x8a: {  	s1 =	srdreg.scid  }
0x8b: {  	s0 =	sand.u32 $0x1, s1  }
0x8c: {  	s17 =	sshll.u32 s0, $0xA;
	s2 =	sadd.s32 s3, s2  }
0x8d: {  	s2 =	sadd.s32 s2, s17  }
0x8e: {  	[smem:$0x3FC4] =	sst s2  }
0x8f: {  	_ = 	snop  }
0x90: {  	s2 =	sld [smem:$0x3FC9]  }
0x91: {  	s18 =	sld [smem:$0x3FC8]  }
0x92: {  	s4 =	sld [smem:$0x3FC6]  }
0x93: {  	s5 =	sld [smem:$0x3FD0];
	(tm) =	ssettm $0x1  }
0x94: {  	s6 =	sld [smem:$0x3FFB];
	_ =	sdelay $0x3  }
0x95: {  	_ =	strace s6  }
0x96: {  	s6 =	sld [smem:$0x3FFC];
	_ =	sdelay $0x3  }
0x97: {  	_ =	strace s6  }
0x98: {  	s6 =	sld [smem:$0x3FFD];
	_ =	sdelay $0x3  }
0x99: {  	_ =	strace s6  }
0x9a: {  	_ =	strace $0x8FFFFFFF  }
0x9b: {  	s19 =	sld [smem:$0x3FDB];
	_ =	sdelay $0x1  }
0x9c: {  	s7 =	simm.s32 $_scs_section_size  }
0x9d: {  	s8 =	simm.s32 $_size__tile_overlayer_lowered;
	s9 =	simm.s32 $_tile_overlayer_lowered  }
0x9e: {  	s22 =	simm.s32 $0x1BFF;
	s21 =	sshll.u32 s9, $0x1;
	s6 =	sadd.s32 s7, s19  }
0x9f: {  	s10 =	simm.s32 $0x0;
	s20 =	sshll.u32 s8, $0x1;
	s8 =	sadd.s32 s21, s6  }
0xa0: {  	[timem:s10], [sflag:s22] =	dma.local [hbm:s8], s20  }
0xa1: {  	_ =	swait.ge [sflag:s22], s20  }
0xa2: {  	s7 =	ssub.s32 $0x0, s20;
	[sflag:s22] =	ssyncset.done $0x0  }
0xa3: {  	[sflag:s22] =	ssyncadd.s32 s7;
	_ =	sdelay $0x1  }
0xa4: {  	s23 =	simm.s32 $0x1B8B  }
0xa5: {  	_ =	swait.ge [sflag:s23], $0x1  }
0xa6: {  	[sflag:s23] =	ssyncset.done $0x0  }
0xa7: {  	s25 =	simm.s32 $0x1B8E;
	s24 =	sld [smem:$0x3FFE];
	[sflag:s23] =	ssyncadd.s32 $0xFFFFFFFF  }
0xa8: {  	s26 =	simm.s32 $execute0_lowered;
	[smem:$0x3FD2] =	sst s25  }
0xa9: {  	s8 =	sshll.u32 s26, $0x1;
	_ =	strace $0x80000046;
	[dreg:$0x1] =	wrdreg $0xFFFFFFFF  }
0xaa: {  	s28 =	simm.s32 $_size_execute0_lowered;
	s6 =	sadd.s32 s6, s8;
	[dreg:$0x0] =	wrdreg $0x0  }
0xab: {  	s8 =	sshll.u32 s28, $0x1;
	[dreg:$0x2] =	wrdreg s6  }
0xac: {  	[dreg:$0x3] =	wrdreg s8  }
0xad: {  	[dreg:$0x4] =	wrdreg $0xC0  }
0xae: {  	_ =	task [dreg:s10], $0x5FFFF  }
0xaf: {  	[dreg:$0x1] =	wrdreg $0xFFFFFFFF  }
0xb0: {  	[dreg:$0x0] =	wrdreg $0x60  }
0xb1: {  	[dreg:$0x2] =	wrdreg s2  }
0xb2: {  	[dreg:$0x3] =	wrdreg s18  }
0xb3: {  	[dreg:$0x4] =	wrdreg s24  }
0xb4: {  	[dreg:$0x5] =	wrdreg s4  }
0xb5: {  	[dreg:$0x6] =	wrdreg s5  }
0xb6: {  	[dreg:$0x7] =	wrdreg $0x9  }
0xb7: {  	_ =	task.clear_ibuf [dreg:s10], $0x8FFFF;
	_ =	strace $0x90000046  }
0xb8: {  	s29 =	simm.s32 $0x9;
	_ =	strace $0x80000048  }
0xb9: {  	_ =	swait.ge [sflag:s29], $0x1  }
0xba: {  	[sflag:s29] =	ssyncadd.s32 $0xFFFFFFFF  }
0xbb: {  	_ =	strace $0x90000048  }
0xbc: {  	_ =	sfence  }
0xbd: {  	s30 =	sld [smem:$0x0];
	_ =	sdelay $0x2  }
0xbe: {  	s31 =	sshll.u32 s1, $0xD;
	s1 =	sshrl.u32 s1, $0x2  }
0xbf: {  	s3 =	sand.u32 $0x4000, s31;
	s1 =	sadd.s32 s1, s30  }
0xc0: {  	s0 =	sor.u32 s3, s0;
	s1 =	sshll.u32 s1, $0x11  }
0xc1: {  	s0 =	sor.u32 s1, s0  }
0xc2: {  	s0 =	sadd.s32 $0x8F2B, s0  }
0xc3: {  	[sflag:s0] =	ssyncadd.remote.s32 $0x1  }
0xc4: {  	_ =	sfence.sel $0xFFFF  }
0xc5: {  	[dreg:$0x0] =	wrdreg $0xFFFFFFFF;
	(pc) =	sbr.abs _section_cstart, $3  }
0xc6: {  	[dreg:$0x1] =	wrdreg $0xFFFFFFFF  }
0xc7: {  	_ =	task.clear_ibuf [dreg:s10], $0x2FFFF;
	_ =	strace $0x9FFFFFFF  }
0xc8: {  	(tm) =	ssettm $0x7FFFFFFF  }
0xc9: {  	_ =	shalt  }
tec
execute0_lowered:
.L_overlay_start_1:
0x0: {  	(tag) =	ssettag $0x1  }
0x1: {  	s1 =	rddreg [dreg:$0x0]  }
0x2: {  	s2 =	rddreg [dreg:$0x1]  }
0x3: {  	s5 =	rddreg [dreg:$0x2]  }
0x4: {  	s3 =	srdreg.scid;
	s7 =	rddreg [dreg:$0x3]  }
0x5: {  	s0 =	stileid.u32;
	s8 =	rddreg [dreg:$0x4];
	s4 =	simm.s32 $0x0  }
0x6: {  	s11 =	simm.s32 $0x2780;
	s12 =	simm.s32 $0x4F00;
	s13 =	simm.s32 $0x50  }
0x7: {  	s14 =	simm.s32 $0x9E00;
	s15 =	simm.s32 $0xC600;
	s16 =	simm.s32 $0x1  }
0x8: {  	s17 =	simm.s32 $0x7680;
	s6 =	sand.u32 $0x1, s3;
	s31 =	sshll.u32 s0, $0x1  }
0x9: {  	v0 =	vlaneseq.u32;
	s18 =	simm.s32 $0x0;
	s3 =	sor.u32 s6, s31;
	s6 =	ssub.s32 $0x2, s6  }
0xa: {  	[smem:$0x7FF] =	sst s4;
	v0 =	vmul.u32 $0x80, v0;
	s9 =	smul.u32 $0x4E2, s3;
	s10 =	sshrl.u32 s6, $0x1  }
0xb: {  	s3 =	rddreg [dreg:$0x5];
	_ =	strace $0x80000047;
	s10 =	ssub.s32 s6, s10  }
0xc: {  	v1 =	vor.u32 $0x800, v0;
	s5 =	sadd.s32 s5, s9;
	s7 =	sadd.s32 s7, s9;
	s8 =	sadd.s32 s8, s9  }
0xd: {  	v2 =	vor.u32 $0x1000, v0;
	v3 =	vor.u32 $0x1800, v0;
	v4 =	vor.u32 $0x2000, v0;
	s9 =	smax.u32 s10, $0x1;
	s10 =	simm.s32 $0x2;
	s6 =	sadd.s32 $0x9E00, s5  }
.LBB2_1:
0xe: {  	[tilespmem:s4], [sflag:$0x2] =	stream.linear.gather [hbm4b:s6+s4], $0x2710, $0x38;
	[tilespmem:$0xEE00] =	vst v63  }
0xf: {  	_ =	swait.ge [sflag:s10], $0x2710  }
0x10: {  	[sflag:s10] =	ssyncset.done $0x0  }
0x11: {  	[sflag:s10] =	ssyncadd.s32 $0xFFFFD8F0  }
0x12: {  	[tilespmem:s11], [sflag:$0x2] =	stream.linear.gather [hbm4b:s5+s4], $0x2710, $0x38;
	[tilespmem:$0xEE00] =	vst v63  }
0x13: {  	_ =	swait.ge [sflag:s10], $0x2710  }
0x14: {  	[sflag:s10] =	ssyncset.done $0x0  }
0x15: {  	[sflag:s10] =	ssyncadd.s32 $0xFFFFD8F0  }
0x16: {  	[tilespmem:s12], [sflag:$0x2] =	stream.linear.gather [hbm4b:s7+s4], $0x2710, $0x38;
	[tilespmem:$0xEE00] =	vst v63  }
0x17: {  	_ =	swait.ge [sflag:s10], $0x2710  }
0x18: {  	[sflag:s10] =	ssyncset.done $0x0  }
0x19: {  	s19 =	simm.s32 $0x0;
	[sflag:s10] =	ssyncadd.s32 $0xFFFFD8F0  }
.LBB2_2:
0x1a: {  	s20 =	smul.u32 $0x50, s19  }
0x1b: {  	s21 =	simm.s32 $0x0  }
0x1c: {  	v5 =	vmov s21;
	[tilespmem:s14], [sflag:$0x1] =	stream.indirect.gather [hbm4b:s1+s13], $0x80, s20, s13, $0xb8;
	[tilespmem:$0xEE00] =	vst v63  }
0x1d: {  	s28 =	sadd.s32 $0x2780, s20;
	v5 =	vand.u32 $0x78, v5  }
0x1e: {  	v5 =	vbroadcast v5, $0x0;
	[tilespmem:s15], [sflag:$0x1] =	stream.indirect.gather [hbm4b:s2+s13], $0x80, s28, s13, $0xb8;
	[tilespmem:$0xEE00] =	vst v63  }
0x1f: {  	_ =	swait.ge [sflag:s16], $0x2800  }
0x20: {  	v6 =	vor.u32 v1, v5;
	[sflag:s16] =	ssyncset.done $0x0  }
0x21: {  	s29 =	simm.s32 $0x1;
	v7 =	vor.u32 v0, v5;
	[sflag:s16] =	ssyncadd.s32 $0xFFFFD800  }
0x22: {  	v8 =	vmov s29;
	_ =	swait.ge [sflag:s16], $0x2800  }
0x23: {  	v8 =	vand.u32 $0x79, v8;
	[sflag:s16] =	ssyncset.done $0x0  }
0x24: {  	v8 =	vbroadcast v8, $0x0;
	v21 =	vor.u32 v3, v5;
	[sflag:s16] =	ssyncadd.s32 $0xFFFFD800  }
0x25: {  	v9 =	vor.u32 v4, v5;
	v10 =	vld.idx.msk [tilespmem:v6+s14+$0x0], $0xffff  }
0x26: {  	v11 =	vor.u32 v3, v8;
	v13 =	vld.idx.msk [tilespmem:v7+s14+$0x0], $0xffff  }
0x27: {  	v6 =	vld.idx.msk [tilespmem:v6+s15+$0x0], $0xffff  }
0x28: {  	v24 =	vor.u32 v2, v8;
	v15 =	vld.idx.msk [tilespmem:v7+s15+$0x0], $0xffff  }
0x29: {  	v14 =	vor.u32 v0, v8;
	v12 =	vld.idx.msk [tilespmem:v21+s15+$0x0], $0xffff  }
0x2a: {  	v16 =	vor.u32 v1, v8;
	v8 =	vor.u32 v4, v8;
	v17 =	vld.idx.msk [tilespmem:v9+s14+$0x0], $0xffff  }
0x2b: {  	v18 =	vld.idx.msk [tilespmem:v11+s14+$0x0], $0xffff  }
0x2c: {  	s30 =	simm.s32 $0x2;
	v19 =	vld.idx.msk [tilespmem:v11+s15+$0x0], $0xffff  }
0x2d: {  	v7 =	vmov s30;
	v11 =	vld.idx.msk [tilespmem:v24+s15+$0x0], $0xffff  }
0x2e: {  	v26 =	vor.u32 v2, v5;
	v25 =	vld.idx.msk [tilespmem:v14+s15+$0x0], $0xffff;
	v7 =	vand.u32 $0x7A, v7  }
0x2f: {  	v22 =	vld.idx.msk [tilespmem:v8+s14+$0x0], $0xffff;
	v20 =	vbroadcast v7, $0x0  }
0x30: {  	v33 =	vld.idx.msk [tilespmem:v8+s15+$0x0], $0xffff  }
0x31: {  	v8 =	vld.idx.msk [tilespmem:v16+s15+$0x0], $0xffff;
	v29 =	vor.u32 v2, v20  }
0x32: {  	v34 =	vld.idx.msk [tilespmem:v14+s14+$0x0], $0xffff;
	v31 =	vor.u32 v3, v20  }
0x33: {  	v23 =	vld.idx.msk [tilespmem:v26+s14+$0x0], $0xffff  }
0x34: {  	v27 =	vld.idx.msk [tilespmem:v9+s15+$0x0], $0xffff;
	v32 =	vor.u32 v4, v20  }
0x35: {  	v7 =	vld.idx.msk [tilespmem:v16+s14+$0x0], $0xffff;
	v30 =	vor.u32 v0, v20  }
0x36: {  	v14 =	vld.idx.msk [tilespmem:v29+s14+$0x0], $0xffff  }
0x37: {  	v9 =	vimm.f32 $0.0e+00;
	v28 =	vor.u32 v1, v20;
	v5 =	vmul.f32 v15, v13;
	v16 =	vld.idx.msk [tilespmem:v31+s15+$0x0], $0xffff  }
0x38: {  	s31 =	simm.s32 $0x3;
	v13 =	vimm.f32 $0.0e+00;
	v15 =	vmul.f32 v19, v18;
	v22 =	vmul.f32 v33, v22;
	v19 =	vld.idx.msk [tilespmem:v31+s14+$0x0], $0xffff  }
0x39: {  	v33 =	vmov s31;
	v31 =	vmul.f32 v6, v10;
	v6 =	vmul.f32 v25, v34;
	v25 =	vld.idx.msk [tilespmem:v32+s15+$0x0], $0xffff  }
0x3a: {  	s22 =	simm.s32 $0xF;
	s21 =	simm.s32 $0x7;
	v18 =	vimm.f32 $0.0e+00;
	v5 =	vadd.f32 v5, v13;
	v20 =	vld.idx.msk [tilespmem:v30+s14+$0x0], $0xffff;
	v10 =	vimm.f32 $0.0e+00  }
.LBB2_3:
0x3b: {  	p0 =	sne.s32 s22, $0x7F;
	v34 =	vld.idx.msk [tilespmem:v21+s14+$0x0], $0xffff;
	v33 =	vand.u32 $0x7B, v33;
	s23 =	smov.u32 s22;
	s22 =	sadd.s32 $0x8, s22  }
0x3c: {  	v21 =	vadd.f32 v31, v13;
	v13 =	vld.idx.msk [tilespmem:v32+s14+$0x0], $0xffff;
	v31 =	vbroadcast v33, $0x0  }
0x3d: {  	s24 =	sadd.s32 $0xFFFFFFFD, s21;
	v17 =	vmul.f32 v27, v17;
	v26 =	vld.idx.msk [tilespmem:v26+s15+$0x0], $0xffff  }
0x3e: {  	v27 =	vld.idx.msk [tilespmem:v28+s14+$0x0], $0xffff;
	v32 =	vor.u32 v3, v31;
	v33 =	vor.u32 v4, v31  }
0x3f: {  	v37 =	vmov s24;
	v35 =	vor.u32 v1, v31;
	v36 =	vor.u32 v2, v31;
	v24 =	vld.idx.msk [tilespmem:v24+s14+$0x0], $0xffff  }
0x40: {  	v17 =	vadd.f32 v17, v18;
	v18 =	vld.idx.msk [tilespmem:v29+s15+$0x0], $0xffff;
	v29 =	vand.u32 $0x7C, v37  }
0x41: {  	v31 =	vor.u32 v0, v31;
	v30 =	vld.idx.msk [tilespmem:v30+s15+$0x0], $0xffff;
	v29 =	vbroadcast v29, $0x0  }
0x42: {  	v34 =	vmul.f32 v12, v34;
	v12 =	vadd.f32 v22, v17;
	v17 =	vld.idx.msk [tilespmem:v28+s15+$0x0], $0xffff  }
0x43: {  	v13 =	vmul.f32 v25, v13;
	v22 =	vld.idx.msk [tilespmem:v33+s15+$0x0], $0xffff;
	v25 =	vor.u32 v0, v29  }
0x44: {  	v23 =	vmul.f32 v26, v23;
	v10 =	vadd.f32 v34, v10;
	v28 =	vor.u32 v2, v29;
	v26 =	vld.idx.msk [tilespmem:v32+s14+$0x0], $0xffff  }
0x45: {  	v11 =	vmul.f32 v11, v24;
	v24 =	vld.idx.msk [tilespmem:v32+s15+$0x0], $0xffff;
	v32 =	vor.u32 v4, v29  }
0x46: {  	v16 =	vmul.f32 v16, v19;
	v23 =	vadd.f32 v23, v9;
	v14 =	vmul.f32 v18, v14;
	v18 =	vld.idx.msk [tilespmem:v31+s14+$0x0], $0xffff  }
0x47: {  	v19 =	vor.u32 v1, v29;
	v10 =	vadd.f32 v15, v10;
	v9 =	vmul.f32 v30, v20;
	v15 =	vld.idx.msk [tilespmem:v31+s15+$0x0], $0xffff  }
0x48: {  	s24 =	sadd.s32 $0xFFFFFFFE, s21;
	v11 =	vadd.f32 v11, v23;
	v17 =	vmul.f32 v17, v27;
	v20 =	vld.idx.msk [tilespmem:v25+s15+$0x0], $0xffff  }
0x49: {  	v16 =	vadd.f32 v16, v10;
	v27 =	vor.u32 v3, v29;
	v29 =	vmov s24;
	v23 =	vld.idx.msk [tilespmem:v28+s15+$0x0], $0xffff  }
0x4a: {  	v10 =	vadd.f32 v14, v11;
	v11 =	vand.u32 $0x7D, v29;
	v14 =	vld.idx.msk [tilespmem:v36+s14+$0x0], $0xffff  }
0x4b: {  	v24 =	vmul.f32 v24, v26;
	v26 =	vld.idx.msk [tilespmem:v28+s14+$0x0], $0xffff;
	v28 =	vbroadcast v11, $0x0  }
0x4c: {  	v29 =	vld.idx.msk [tilespmem:v35+s14+$0x0], $0xffff  }
0x4d: {  	s24 =	sadd.s32 $0xFFFFFFFF, s21;
	v11 =	vmul.f32 v15, v18;
	v15 =	vld.idx.msk [tilespmem:v36+s15+$0x0], $0xffff;
	v18 =	vor.u32 v2, v28  }
0x4e: {  	v31 =	vor.u32 v0, v28;
	v34 =	vor.u32 v1, v28;
	v30 =	vld.idx.msk [tilespmem:v35+s15+$0x0], $0xffff;
	v35 =	vor.u32 v4, v28  }
0x4f: {  	v36 =	vmov s24;
	v28 =	vor.u32 v3, v28;
	v33 =	vld.idx.msk [tilespmem:v33+s14+$0x0], $0xffff  }
0x50: {  	v36 =	vand.u32 $0x7E, v36;
	v37 =	vld.idx.msk [tilespmem:v32+s15+$0x0], $0xffff  }
0x51: {  	v36 =	vbroadcast v36, $0x0;
	v25 =	vld.idx.msk [tilespmem:v25+s14+$0x0], $0xffff  }
0x52: {  	v38 =	vld.idx.msk [tilespmem:v18+s15+$0x0], $0xffff  }
0x53: {  	v39 =	vor.u32 v0, v36;
	v40 =	vor.u32 v4, v36;
	v14 =	vmul.f32 v15, v14;
	v15 =	vld.idx.msk [tilespmem:v19+s15+$0x0], $0xffff  }
0x54: {  	v23 =	vmul.f32 v23, v26;
	v29 =	vmul.f32 v30, v29;
	v30 =	vor.u32 v3, v36;
	v26 =	vld.idx.msk [tilespmem:v35+s14+$0x0], $0xffff  }
0x55: {  	v22 =	vmul.f32 v22, v33;
	v33 =	vor.u32 v1, v36;
	v18 =	vld.idx.msk [tilespmem:v18+s14+$0x0], $0xffff  }
0x56: {  	v36 =	vor.u32 v2, v36;
	v32 =	vld.idx.msk [tilespmem:v32+s14+$0x0], $0xffff  }
0x57: {  	v20 =	vmul.f32 v20, v25;
	v25 =	vld.idx.msk [tilespmem:v35+s15+$0x0], $0xffff  }
0x58: {  	v35 =	vld.idx.msk [tilespmem:v27+s14+$0x0], $0xffff  }
0x59: {  	v41 =	vld.idx.msk [tilespmem:v39+s15+$0x0], $0xffff  }
0x5a: {  	v19 =	vld.idx.msk [tilespmem:v19+s14+$0x0], $0xffff  }
0x5b: {  	v18 =	vmul.f32 v38, v18;
	v38 =	vld.idx.msk [tilespmem:v30+s14+$0x0], $0xffff  }
0x5c: {  	v32 =	vmul.f32 v37, v32;
	v37 =	vld.idx.msk [tilespmem:v28+s14+$0x0], $0xffff  }
0x5d: {  	v42 =	vld.idx.msk [tilespmem:v34+s15+$0x0], $0xffff  }
0x5e: {  	v27 =	vld.idx.msk [tilespmem:v27+s15+$0x0], $0xffff  }
0x5f: {  	v43 =	vld.idx.msk [tilespmem:v33+s14+$0x0], $0xffff  }
0x60: {  	v44 =	vmov s21;
	s21 =	smov.u32 s23;
	v15 =	vmul.f32 v15, v19;
	v19 =	vld.idx.msk [tilespmem:v31+s14+$0x0], $0xffff  }
0x61: {  	v44 =	vand.u32 $0x7F, v44;
	v30 =	vld.idx.msk [tilespmem:v30+s15+$0x0], $0xffff  }
0x62: {  	v44 =	vbroadcast v44, $0x0;
	v33 =	vld.idx.msk [tilespmem:v33+s15+$0x0], $0xffff  }
0x63: {  	v7 =	vmul.f32 v8, v7;
	v25 =	vmul.f32 v25, v26;
	v8 =	vld.idx.msk [tilespmem:v28+s15+$0x0], $0xffff  }
0x64: {  	v26 =	vmul.f32 v27, v35;
	v28 =	vor.u32 v1, v44;
	v27 =	vld.idx.msk [tilespmem:v34+s14+$0x0], $0xffff;
	v34 =	vor.u32 v3, v44  }
0x65: {  	v7 =	vadd.f32 v7, v21;
	v35 =	vor.u32 v2, v44;
	v21 =	vld.idx.msk [tilespmem:v31+s15+$0x0], $0xffff;
	v31 =	vor.u32 v0, v44  }
0x66: {  	v44 =	vor.u32 v4, v44;
	v45 =	vld.idx.msk [tilespmem:v36+s15+$0x0], $0xffff  }
0x67: {  	v7 =	vadd.f32 v17, v7;
	v30 =	vmul.f32 v30, v38;
	v17 =	vld.idx.msk [tilespmem:v36+s14+$0x0], $0xffff  }
0x68: {  	v16 =	vadd.f32 v24, v16;
	v24 =	vmul.f32 v33, v43;
	v33 =	vld.idx.msk [tilespmem:v40+s14+$0x0], $0xffff  }
0x69: {  	v7 =	vadd.f32 v29, v7;
	v29 =	vld.idx.msk [tilespmem:v34+s15+$0x0], $0xffff  }
0x6a: {  	v16 =	vadd.f32 v26, v16;
	v8 =	vmul.f32 v8, v37;
	v26 =	vld.idx.msk [tilespmem:v39+s14+$0x0], $0xffff  }
0x6b: {  	v7 =	vadd.f32 v15, v7;
	v15 =	vmul.f32 v21, v19;
	v19 =	vmul.f32 v42, v27;
	v21 =	vld.idx.msk [tilespmem:v40+s15+$0x0], $0xffff  }
0x6c: {  	v8 =	vadd.f32 v8, v16;
	v16 =	vld.idx.msk [tilespmem:v28+s15+$0x0], $0xffff  }
0x6d: {  	v7 =	vadd.f32 v19, v7;
	v17 =	vmul.f32 v45, v17;
	v19 =	vld.idx.msk [tilespmem:v35+s15+$0x0], $0xffff  }
0x6e: {  	v5 =	vadd.f32 v6, v5;
	v6 =	vadd.f32 v30, v8;
	v8 =	vld.idx.msk [tilespmem:v44+s15+$0x0], $0xffff  }
0x6f: {  	v12 =	vadd.f32 v13, v12;
	v7 =	vadd.f32 v24, v7;
	v13 =	vld.idx.msk [tilespmem:v28+s14+$0x0], $0xffff  }
0x70: {  	v5 =	vadd.f32 v9, v5;
	v9 =	vmul.f32 v41, v26;
	v24 =	vld.idx.msk [tilespmem:v34+s14+$0x0], $0xffff  }
0x71: {  	v10 =	vadd.f32 v14, v10;
	v12 =	vadd.f32 v22, v12;
	v14 =	vmul.f32 v21, v33;
	v21 =	vld.idx.msk [tilespmem:v35+s14+$0x0], $0xffff  }
0x72: {  	v5 =	vadd.f32 v11, v5;
	v11 =	vld.idx.msk [tilespmem:v44+s14+$0x0], $0xffff  }
0x73: {  	v10 =	vadd.f32 v23, v10;
	v12 =	vadd.f32 v32, v12;
	v22 =	vld.idx.msk [tilespmem:v31+s15+$0x0], $0xffff  }
0x74: {  	v5 =	vadd.f32 v20, v5;
	v20 =	vld.idx.msk [tilespmem:v31+s14+$0x0], $0xffff  }
0x75: {  	s23 =	sadd.s32 $0xFFFFFFF9, s21;
	v10 =	vadd.f32 v18, v10;
	v12 =	vadd.f32 v25, v12;
	v13 =	vmul.f32 v16, v13  }
0x76: {  	v5 =	vadd.f32 v15, v5;
	v16 =	vmov s23;
	v15 =	vmul.f32 v29, v24  }
0x77: {  	v12 =	vadd.f32 v14, v12;
	v16 =	vand.u32 $0x78, v16;
	v13 =	vadd.f32 v13, v7  }
0x78: {  	v5 =	vadd.f32 v9, v5;
	v9 =	vadd.f32 v17, v10;
	v7 =	vbroadcast v16, $0x0  }
0x79: {  	v14 =	vmul.f32 v19, v21;
	v10 =	vadd.f32 v15, v6;
	v6 =	vmul.f32 v8, v11  }
0x7a: {  	s23 =	sadd.s32 $0xFFFFFFFA, s21;
	v8 =	vor.u32 v0, v7;
	v11 =	vor.u32 v1, v7;
	v15 =	vmul.f32 v22, v20  }
0x7b: {  	v26 =	vor.u32 v2, v7;
	v21 =	vor.u32 v3, v7;
	v9 =	vadd.f32 v14, v9  }
0x7c: {  	v19 =	vor.u32 v4, v7;
	v7 =	vmov s23;
	v5 =	vadd.f32 v15, v5  }
0x7d: {  	v7 =	vand.u32 $0x79, v7;
	v18 =	vadd.f32 v6, v12  }
0x7e: {  	v6 =	vbroadcast v7, $0x0  }
0x7f: {  	v20 =	vld.idx.msk [tilespmem:v11+s14+$0x0], $0xffff  }
0x80: {  	v14 =	vor.u32 v1, v6;
	v24 =	vor.u32 v2, v6;
	v15 =	vor.u32 v3, v6;
	v7 =	vld.idx.msk [tilespmem:v8+s14+$0x0], $0xffff  }
0x81: {  	v16 =	vor.u32 v0, v6;
	v6 =	vor.u32 v4, v6;
	v25 =	vld.idx.msk [tilespmem:v11+s15+$0x0], $0xffff  }
0x82: {  	v8 =	vld.idx.msk [tilespmem:v8+s15+$0x0], $0xffff  }
0x83: {  	v12 =	vld.idx.msk [tilespmem:v21+s15+$0x0], $0xffff  }
0x84: {  	s23 =	sadd.s32 $0xFFFFFFFB, s21;
	v17 =	vld.idx.msk [tilespmem:v19+s14+$0x0], $0xffff  }
0x85: {  	v11 =	vmov s23;
	v22 =	vld.idx.msk [tilespmem:v15+s14+$0x0], $0xffff  }
0x86: {  	v23 =	vand.u32 $0x7A, v11;
	v15 =	vld.idx.msk [tilespmem:v15+s15+$0x0], $0xffff  }
0x87: {  	v23 =	vbroadcast v23, $0x0;
	v11 =	vld.idx.msk [tilespmem:v24+s15+$0x0], $0xffff  }
0x88: {  	v8 =	vmul.f32 v8, v7;
	v33 =	vld.idx.msk [tilespmem:v16+s15+$0x0], $0xffff  }
0x89: {  	v30 =	vor.u32 v0, v23;
	v28 =	vor.u32 v1, v23;
	v29 =	vor.u32 v2, v23;
	v7 =	vld.idx.msk [tilespmem:v14+s14+$0x0], $0xffff  }
0x8a: {  	v34 =	vor.u32 v3, v23;
	v32 =	vor.u32 v4, v23;
	v5 =	vadd.f32 v8, v5;
	v31 =	vld.idx.msk [tilespmem:v6+s14+$0x0], $0xffff  }
0x8b: {  	v6 =	vld.idx.msk [tilespmem:v6+s15+$0x0], $0xffff  }
0x8c: {  	v15 =	vmul.f32 v15, v22;
	v8 =	vld.idx.msk [tilespmem:v14+s15+$0x0], $0xffff  }
0x8d: {  	v35 =	vld.idx.msk [tilespmem:v16+s14+$0x0], $0xffff  }
0x8e: {  	v14 =	vld.idx.msk [tilespmem:v29+s14+$0x0], $0xffff  }
0x8f: {  	v16 =	vld.idx.msk [tilespmem:v34+s15+$0x0], $0xffff  }
.Ltmp0:
0x90: {  	v23 =	vld.idx.msk [tilespmem:v26+s14+$0x0], $0xffff;
	(pc) =	sbr.rel @p0 .LBB2_3-.Ltmp0, $4  }
0x91: {  	v22 =	vmul.f32 v6, v31;
	v27 =	vld.idx.msk [tilespmem:v19+s15+$0x0], $0xffff  }
0x92: {  	v31 =	vmul.f32 v25, v20;
	v19 =	vld.idx.msk [tilespmem:v34+s14+$0x0], $0xffff  }
0x93: {  	s23 =	sadd.s32 $0xFFFFFFFC, s21;
	v6 =	vmul.f32 v33, v35;
	v25 =	vld.idx.msk [tilespmem:v32+s15+$0x0], $0xffff  }
0x94: {  	v33 =	vmov s23;
	v20 =	vld.idx.msk [tilespmem:v30+s14+$0x0], $0xffff  }
0x95: {  	_ =	sdelay $0x3  }
0x96: {  	v34 =	vld.idx.msk [tilespmem:v21+s14+$0x0], $0xffff  }
0x97: {  	v33 =	vand.u32 $0x7B, v33;
	v41 =	vld.idx.msk [tilespmem:v32+s14+$0x0], $0xffff  }
0x98: {  	v62 =	vld.idx.msk [tilespmem:v28+s14+$0x0], $0xffff;
	v33 =	vbroadcast v33, $0x0  }
0x99: {  	v46 =	vld.idx.msk [tilespmem:v29+s15+$0x0], $0xffff  }
0x9a: {  	v32 =	vld.idx.msk [tilespmem:v26+s15+$0x0], $0xffff;
	v35 =	vor.u32 v4, v33  }
0x9b: {  	v39 =	vld.idx.msk [tilespmem:v24+s14+$0x0], $0xffff;
	v36 =	vor.u32 v3, v33  }
0x9c: {  	v30 =	vld.idx.msk [tilespmem:v30+s15+$0x0], $0xffff  }
0x9d: {  	v29 =	vld.idx.msk [tilespmem:v28+s15+$0x0], $0xffff;
	v38 =	vor.u32 v0, v33;
	[tilespmem:$0x1FFB0] =	vst v62  }
0x9e: {  	v14 =	vmul.f32 v46, v14;
	v46 =	vld [tilespmem:$0x1FFB0]  }
0x9f: {  	s22 =	sadd.s32 $0xFFFFFFFD, s21;
	v43 =	vor.u32 v2, v33;
	v63 =	vld.idx.msk [tilespmem:v35+s15+$0x0], $0xffff  }
0xa0: {  	v37 =	vmov s22;
	v33 =	vor.u32 v1, v33;
	v45 =	vld.idx.msk [tilespmem:v36+s14+$0x0], $0xffff  }
0xa1: {  	v37 =	vand.u32 $0x7C, v37;
	v36 =	vld.idx.msk [tilespmem:v36+s15+$0x0], $0xffff  }
0xa2: {  	v37 =	vbroadcast v37, $0x0;
	v44 =	vld.idx.msk [tilespmem:v38+s14+$0x0], $0xffff  }
0xa3: {  	v38 =	vld.idx.msk [tilespmem:v38+s15+$0x0], $0xffff  }
0xa4: {  	s30 =	sadd.s32 $0xFFFFFFFE, s21;
	v40 =	vor.u32 v0, v37;
	v48 =	vld.idx.msk [tilespmem:v43+s14+$0x0], $0xffff  }
0xa5: {  	v47 =	vmov s30;
	v42 =	vor.u32 v2, v37;
	v50 =	vld.idx.msk [tilespmem:v33+s14+$0x0], $0xffff  }
0xa6: {  	v47 =	vand.u32 $0x7D, v47;
	v43 =	vld.idx.msk [tilespmem:v43+s15+$0x0], $0xffff  }
0xa7: {  	v47 =	vbroadcast v47, $0x0;
	v49 =	vor.u32 v4, v37;
	v33 =	vld.idx.msk [tilespmem:v33+s15+$0x0], $0xffff  }
0xa8: {  	v35 =	vld.idx.msk [tilespmem:v35+s14+$0x0], $0xffff  }
0xa9: {  	v51 =	vor.u32 v2, v47;
	v24 =	vld.idx.msk [tilespmem:v40+s15+$0x0], $0xffff  }
0xaa: {  	s31 =	sadd.s32 $0xFFFFFFFF, s21;
	v52 =	vor.u32 v1, v37;
	v55 =	vld.idx.msk [tilespmem:v42+s15+$0x0], $0xffff  }
0xab: {  	v54 =	vmov s31;
	v53 =	vor.u32 v4, v47;
	v42 =	vld.idx.msk [tilespmem:v42+s14+$0x0], $0xffff  }
0xac: {  	v54 =	vand.u32 $0x7E, v54;
	v26 =	vld.idx.msk [tilespmem:v49+s15+$0x0], $0xffff  }
0xad: {  	v54 =	vbroadcast v54, $0x0;
	v40 =	vld.idx.msk [tilespmem:v40+s14+$0x0], $0xffff  }
0xae: {  	v56 =	vld.idx.msk [tilespmem:v51+s15+$0x0], $0xffff  }
0xaf: {  	v58 =	vor.u32 v0, v54;
	v57 =	vld.idx.msk [tilespmem:v52+s15+$0x0], $0xffff  }
0xb0: {  	v59 =	vld.idx.msk [tilespmem:v53+s14+$0x0], $0xffff  }
0xb1: {  	v37 =	vor.u32 v3, v37;
	v51 =	vld.idx.msk [tilespmem:v51+s14+$0x0], $0xffff  }
0xb2: {  	v21 =	vor.u32 v1, v54;
	v49 =	vld.idx.msk [tilespmem:v49+s14+$0x0], $0xffff  }
0xb3: {  	v61 =	vor.u32 v3, v47;
	v62 =	vor.u32 v1, v47;
	v47 =	vor.u32 v0, v47;
	v53 =	vld.idx.msk [tilespmem:v53+s15+$0x0], $0xffff  }
0xb4: {  	v28 =	vld.idx.msk [tilespmem:v58+s15+$0x0], $0xffff  }
0xb5: {  	v17 =	vmul.f32 v27, v17;
	v52 =	vld.idx.msk [tilespmem:v52+s14+$0x0], $0xffff  }
0xb6: {  	v27 =	vld.idx.msk [tilespmem:v37+s15+$0x0], $0xffff  }
0xb7: {  	v13 =	vadd.f32 v31, v13;
	v17 =	vadd.f32 v17, v18;
	v12 =	vmul.f32 v12, v34;
	v31 =	vld.idx.msk [tilespmem:v21+s14+$0x0], $0xffff  }
0xb8: {  	v34 =	vmov s21;
	v23 =	vmul.f32 v32, v23;
	v32 =	vor.u32 v2, v54;
	v18 =	vld.idx.msk [tilespmem:v47+s14+$0x0], $0xffff  }
0xb9: {  	v34 =	vand.u32 $0x7F, v34;
	v10 =	vadd.f32 v12, v10;
	v12 =	vld.idx.msk [tilespmem:v21+s15+$0x0], $0xffff  }
0xba: {  	v21 =	vbroadcast v34, $0x0;
	v34 =	vld.idx.msk [tilespmem:v61+s15+$0x0], $0xffff  }
0xbb: {  	v9 =	vadd.f32 v23, v9;
	v23 =	vor.u32 v4, v54;
	v10 =	vadd.f32 v15, v10;
	v15 =	vld.idx.msk [tilespmem:v62+s14+$0x0], $0xffff  }
0xbc: {  	v17 =	vadd.f32 v22, v17;
	v22 =	vld.idx.msk [tilespmem:v47+s15+$0x0], $0xffff  }
0xbd: {  	v16 =	vmul.f32 v16, v19;
	v60 =	vor.u32 v3, v54;
	v20 =	vmul.f32 v30, v20;
	v30 =	vld.idx.msk [tilespmem:v32+s14+$0x0], $0xffff  }
0xbe: {  	v58 =	vld.idx.msk [tilespmem:v58+s14+$0x0], $0xffff  }
0xbf: {  	v10 =	vadd.f32 v16, v10;
	v16 =	vld.idx.msk [tilespmem:v32+s15+$0x0], $0xffff  }
0xc0: {  	v11 =	vmul.f32 v11, v39;
	v39 =	vld.idx.msk [tilespmem:v23+s14+$0x0], $0xffff  }
0xc1: {  	[tilespmem:$0x1FFC0] =	vst v63;
	v63 =	vld.idx.msk [tilespmem:v37+s14+$0x0], $0xffff  }
0xc2: {  	v37 =	vld.idx.msk [tilespmem:v60+s15+$0x0], $0xffff  }
0xc3: {  	[tilespmem:$0x1FFF0] =	vst v28;
	v28 =	vld.idx.msk [tilespmem:v60+s14+$0x0], $0xffff  }
0xc4: {  	v9 =	vadd.f32 v11, v9;
	[tilespmem:$0x1FFD0] =	vst v24;
	v24 =	vld.idx.msk [tilespmem:v61+s14+$0x0], $0xffff  }
0xc5: {  	v7 =	vmul.f32 v8, v7;
	v19 =	vor.u32 v3, v21;
	[tilespmem:$0x1FFE0] =	vst v26;
	v26 =	vld.idx.msk [tilespmem:v62+s15+$0x0], $0xffff  }
0xc6: {  	v9 =	vadd.f32 v14, v9;
	v8 =	vor.u32 v1, v21;
	v14 =	vmul.f32 v55, v42;
	v55 =	vld [tilespmem:$0x1FFC0]  }
0xc7: {  	v5 =	vadd.f32 v6, v5;
	v7 =	vadd.f32 v7, v13;
	v54 =	vor.u32 v2, v21;
	v62 =	vld.idx.msk [tilespmem:v23+s15+$0x0], $0xffff  }
0xc8: {  	v25 =	vmul.f32 v25, v41;
	v11 =	vmul.f32 v29, v46;
	v13 =	vor.u32 v4, v21;
	v60 =	vld [tilespmem:$0x1FFD0]  }
0xc9: {  	v47 =	vmul.f32 v36, v45;
	v36 =	vmul.f32 v43, v48;
	v48 =	vld [tilespmem:$0x1FFE0]  }
0xca: {  	v5 =	vadd.f32 v20, v5;
	v32 =	vmul.f32 v38, v44;
	v33 =	vmul.f32 v33, v50;
	v41 =	vld.idx.msk [tilespmem:v19+s15+$0x0], $0xffff  }
0xcb: {  	v7 =	vadd.f32 v11, v7;
	v61 =	vor.u32 v0, v21;
	v10 =	vadd.f32 v47, v10;
	v6 =	vld.idx.msk [tilespmem:v8+s15+$0x0], $0xffff  }
0xcc: {  	v43 =	vmul.f32 v56, v51;
	v44 =	vmul.f32 v57, v52;
	v9 =	vadd.f32 v36, v9;
	v45 =	vld.idx.msk [tilespmem:v54+s15+$0x0], $0xffff  }
0xcd: {  	v7 =	vadd.f32 v33, v7;
	v5 =	vadd.f32 v32, v5;
	v52 =	vmul.f32 v22, v18;
	v47 =	vld.idx.msk [tilespmem:v13+s15+$0x0], $0xffff  }
0xce: {  	v12 =	vmul.f32 v12, v31;
	v56 =	vmul.f32 v16, v30;
	v8 =	vld.idx.msk [tilespmem:v8+s14+$0x0], $0xffff;
	v9 =	vadd.f32 v14, v9  }
0xcf: {  	v51 =	vadd.f32 v25, v17;
	v63 =	vmul.f32 v27, v63;
	v35 =	vmul.f32 v55, v35;
	v55 =	vld [tilespmem:$0x1FFF0]  }
0xd0: {  	v7 =	vadd.f32 v44, v7;
	v9 =	vadd.f32 v43, v9;
	v50 =	vld.idx.msk [tilespmem:v61+s15+$0x0], $0xffff;
	v40 =	vmul.f32 v60, v40  }
0xd1: {  	v10 =	vadd.f32 v63, v10;
	v46 =	vmul.f32 v34, v24;
	v15 =	vmul.f32 v26, v15;
	v11 =	vld.idx.msk [tilespmem:v61+s14+$0x0], $0xffff  }
0xd2: {  	v54 =	vld.idx.msk [tilespmem:v54+s14+$0x0], $0xffff;
	v28 =	vmul.f32 v37, v28;
	v24 =	vmul.f32 v48, v49;
	v5 =	vadd.f32 v40, v5  }
0xd3: {  	v13 =	vld.idx.msk [tilespmem:v13+s14+$0x0], $0xffff;
	v49 =	vmul.f32 v53, v59;
	v60 =	vmul.f32 v62, v39;
	v7 =	vadd.f32 v15, v7  }
0xd4: {  	v53 =	vld.idx.msk [tilespmem:v19+s14+$0x0], $0xffff;
	v15 =	vadd.f32 v35, v51;
	v22 =	vmul.f32 v55, v58;
	v5 =	vadd.f32 v52, v5  }
0xd5: {  	v9 =	vadd.f32 v56, v9;
	v10 =	vadd.f32 v46, v10;
	v6 =	vmul.f32 v6, v8;
	v58 =	vld [tilespmem:s20+$0x4F00]  }
0xd6: {  	v59 =	vld [tilespmem:s20+$0x4F10];
	v57 =	vadd.f32 v24, v15;
	v11 =	vmul.f32 v50, v11;
	v5 =	vadd.f32 v22, v5  }
0xd7: {  	v61 =	vld [tilespmem:s20+$0x4F20];
	v62 =	vmul.f32 v45, v54;
	v10 =	vadd.f32 v28, v10;
	v7 =	vadd.f32 v12, v7  }
0xd8: {  	v63 =	vld [tilespmem:s20+$0x4F30];
	v12 =	vadd.f32 v49, v57;
	v5 =	vadd.f32 v11, v5  }
0xd9: {  	v9 =	vadd.f32 v62, v9;
	v18 =	vmul.f32 v41, v53;
	v6 =	vadd.f32 v6, v7;
	v7 =	vld [tilespmem:s20+$0x4F40]  }
0xda: {  	s19 =	sadd.s32 $0x1, s19;
	v13 =	vmul.f32 v47, v13;
	v12 =	vadd.f32 v60, v12;
	v5 =	vadd.f32 v58, v5  }
0xdb: {  	p0 =	sne.s32 s19, $0x7D;
	v10 =	vadd.f32 v18, v10;
	v6 =	vadd.f32 v59, v6  }
.Ltmp1:
0xdc: {  	v12 =	vadd.f32 v13, v12;
	[tilespmem:s20+$0x7680] =	vst v5;
	v5 =	vadd.f32 v61, v9;
	(pc) =	sbr.rel @p0 .LBB2_2-.Ltmp1, $4  }
0xdd: {  	[tilespmem:s20+$0x7690] =	vst v6;
	v6 =	vadd.f32 v63, v10  }
0xde: {  	[tilespmem:s20+$0x76A0] =	vst v5;
	v5 =	vadd.f32 v7, v12  }
0xdf: {  	[tilespmem:s20+$0x76B0] =	vst v6  }
0xe0: {  	[tilespmem:s20+$0x76C0] =	vst v5  }
0xe1: {  	s18 =	sadd.s32 $0x1, s18  }
0xe2: {  	p0 =	sne.s32 s18, s9  }
.Ltmp2:
0xe3: {  	_ = 	snop;
	(pc) =	sbr.rel @p0 .LBB2_1-.Ltmp2, $4  }
0xe4: {  	[hbm4b:s8+s4] =	stream.linear.scatter [tilespmem:s17], [sflag:$0x2], $0x2710, $0x38;
	[tilespmem:$0xEE00] =	vst v63  }
0xe5: {  	_ =	swait.ge [sflag:s10], $0x2710  }
0xe6: {  	[sflag:s10] =	ssyncset.done $0x0  }
0xe7: {  	[sflag:s10] =	ssyncadd.s32 $0xFFFFD8F0  }
0xe8: {  	_ =	sfence.sel $0x180000  }
0xe9: {  	[bflag:$0x0] =	sbarrier.arrive $0xFFFF  }
0xea: {  	p0 =	sne.s32 s0, $0x0;
	_ =	strace $0x90000047  }
0xeb: {  	s0 =	sadd.s32 @!p0 $0x100000, s3;
	[bflag:$0x2] =	sbarrier.arrive $0xFFFF  }
0xec: {  	[sflag:s0] =	ssyncadd.tile.s32 @!p0 $0x1;
	_ =	shalt  }
.Lfunc_end2:
_tile_overlayer_lowered:
.L_overlay_start_2:
0xed: {  	(tag) =	ssettag $0x2  }
0xee: {  	s0 =	rddreg [dreg:$0x0];
	s2 =	stileid.u32  }
0xef: {  	s1 =	rddreg [dreg:$0x1];
	p0 =	sne.s32 s2, $0x0  }
0xf0: {  	s3 =	rddreg [dreg:$0x2];
	[bflag:$0x3] =	sbarrier.arrive $0xFFFF;
	s2 =	simm.s32 @!p0 $0x1C02  }
0xf1: {  	[timem:s3], [sflag:s2] =	dma.local @!p0 [hbm:s0], s1  }
0xf2: {  	s0 =	simm.s32 @!p0 $0x2  }
0xf3: {  	_ =	swait.ge @!p0 [sflag:s0], s1  }
0xf4: {  	s1 =	ssub.s32 @!p0 $0x0, s1;
	[sflag:s0] =	ssyncset.done @!p0 $0x0  }
0xf5: {  	[sflag:s0] =	ssyncadd.s32 @!p0 s1  }
0xf6: {  	[bflag:$0x3] =	sbarrier.arrive $0xFFFF  }
0xf7: {  	_ =	shalt  }

</sc_bundles>
